<compile_context>
chip_gen: v7x
topology: tpu7x:2x2x1
jax: 0.10.2.dev20260603
libtpu: 0.0.44.dev20260713+nightly
codegen_flags: <defaults>
</compile_context>

<pallas_src>
import functools

import jax
import jax.numpy as jnp
from jax import lax
from jax.experimental import pallas as pl
from jax.experimental.pallas import tpu as pltpu
from jax.experimental.pallas import tpu_sc as plsc

B = 16384
V = 14848
D = 128
NSUM = 29
NC = 2
NS = 16
NW = NC * NS
PER_W = B // NW
CB = 8
NCHUNK = PER_W // CB
NCOL = 32
IPC = CB * NCOL


def _pooled_sc(xc, emb):
    mesh = plsc.VectorSubcoreMesh(core_axis_name="c", subcore_axis_name="s")

    @functools.partial(
        pl.kernel,
        out_type=jax.ShapeDtypeStruct((B, D), jnp.float32),
        mesh=mesh,
        scratch_types=[
            pltpu.VMEM((IPC,), jnp.int32),
            pltpu.VMEM((IPC,), jnp.int32),
            pltpu.VMEM((IPC,), jnp.int32),
            pltpu.VMEM((3, IPC, D), jnp.float32),
            pltpu.VMEM((3, CB, D), jnp.float32),
        ] + [pltpu.SemaphoreType.DMA] * 9,
    )
    def k(xc_hbm, emb_hbm, out_hbm, idx0, idx1, idx2, rows_v, acc_v,
          sem0, sem1, sem2, isem0, isem1, isem2, osem0, osem1, osem2):
        wid = lax.axis_index("s") * NC + lax.axis_index("c")
        obase = wid * PER_W
        ibase = obase * NCOL
        idxs = (idx0, idx1, idx2)
        sems = (sem0, sem1, sem2)
        isems = (isem0, isem1, isem2)
        osems = (osem0, osem1, osem2)

        for b in range(3):
            pltpu.async_copy(
                xc_hbm.at[pl.ds(ibase + b * IPC, IPC)], idxs[b], isems[b])
        for b in range(3):
            pltpu.make_async_copy(
                xc_hbm.at[pl.ds(ibase, IPC)], idxs[b], isems[b]).wait()
            pltpu.async_copy(emb_hbm.at[idxs[b]], rows_v.at[b], sems[b])

        def do_chunk(c, b):
            pltpu.make_async_copy(
                emb_hbm.at[idxs[b]], rows_v.at[b], sems[b]).wait()

            @pl.when(c + 3 < NCHUNK)
            def _():
                pltpu.async_copy(
                    xc_hbm.at[pl.ds(ibase + (c + 3) * IPC, IPC)],
                    idxs[b], isems[b])

            @pl.when(c >= 3)
            def _():
                pltpu.make_async_copy(
                    acc_v.at[b],
                    out_hbm.at[pl.ds(obase + (c - 3) * CB, CB)],
                    osems[b],
                ).wait()

            def row_body(r, _):
                def col_body(j, acc, r=r):
                    src = r * NCOL + j
                    return tuple(
                        acc[g] + rows_v[b, src, pl.ds(g * 16, 16)]
                        for g in range(8)
                    )

                acc = lax.fori_loop(
                    0, NSUM, col_body,
                    tuple(jnp.zeros((16,), jnp.float32) for _ in range(8)),
                )
                for g in range(8):
                    acc_v[b, r, pl.ds(g * 16, 16)] = acc[g]
                return _

            lax.fori_loop(0, CB, row_body, 0)

            pltpu.async_copy(
                acc_v.at[b], out_hbm.at[pl.ds(obase + c * CB, CB)],
                osems[b],
            )

            @pl.when(c + 3 < NCHUNK)
            def _():
                pltpu.make_async_copy(
                    xc_hbm.at[pl.ds(ibase, IPC)], idxs[b], isems[b]).wait()
                pltpu.async_copy(
                    emb_hbm.at[idxs[b]], rows_v.at[b], sems[b])

        loopn = (NCHUNK // 3) * 3

        @pl.loop(0, loopn, step=3)
        def _chunks(i):
            for b in range(3):
                do_chunk(i + b, b)

        for c in range(loopn, NCHUNK):
            do_chunk(jnp.int32(c), c % 3)

        for c in range(NCHUNK - 3, NCHUNK):
            pltpu.make_async_copy(
                acc_v.at[c % 3],
                out_hbm.at[pl.ds(obase + c * CB, CB)],
                osems[c % 3],
            ).wait()

    return k(xc, emb)


def _mlp_body(h_ref, w2_ref, b2_ref, w3_ref, b3_ref, w4_ref, o_ref):
    h = jnp.maximum(h_ref[...], 0.0)
    h = lax.dot_general(h, w2_ref[...], (((1,), (1,)), ((), ())),
                        preferred_element_type=jnp.float32) + b2_ref[...]
    h = jnp.concatenate([h, -h], axis=-1)
    h = jnp.maximum(h, 0.0)
    h = lax.dot_general(h, w3_ref[...], (((1,), (1,)), ((), ())),
                        preferred_element_type=jnp.float32) + b3_ref[...]
    h = jnp.concatenate([h, -h], axis=-1)
    h = jnp.maximum(h, 0.0)
    o_ref[...] = lax.dot_general(w4_ref[...], h, (((1,), (1,)), ((), ())),
                                 preferred_element_type=jnp.float32)


def _mlp_tc(pooled, W2, b2, W3, b3, W4):
    blk = 8192
    grid = (B // blk,)
    return pl.pallas_call(
        _mlp_body,
        grid=grid,
        in_specs=[
            pl.BlockSpec((blk, D), lambda i: (i, 0)),
            pl.BlockSpec((32, D), lambda i: (0, 0)),
            pl.BlockSpec((1, 32), lambda i: (0, 0)),
            pl.BlockSpec((32, 64), lambda i: (0, 0)),
            pl.BlockSpec((1, 32), lambda i: (0, 0)),
            pl.BlockSpec((1, 64), lambda i: (0, 0)),
        ],
        out_specs=pl.BlockSpec((1, blk), lambda i: (0, i)),
        out_shape=jax.ShapeDtypeStruct((1, B), jnp.float32),
    )(pooled, W2, b2.reshape(1, 32), W3, b3.reshape(1, 32), W4).reshape(B, 1)


def kernel(x, emb, W2, b2, W3, b3, W4):
    xc = x.astype(jnp.int32).reshape(-1)
    pooled = _pooled_sc(xc, emb)
    return _mlp_tc(pooled, W2, b2, W3, b3, W4)

# --- scband reference (transcript-rebuilt; emitter-appended) ---
"""Pipeline reference for scband-silk-nnue-76742475645269 (READ-ONLY COPY).

The authoritative reference and input builder live on the scoring server;
editing this copy changes nothing except your own understanding.
"""

import jax, jax.numpy as jnp
import numpy as np

VOCAB = 14848
EMB = 128


def setup_inputs(seed: int = 0) -> dict:
    key = jax.random.key(seed)
    k0, k1, k2, k3, k4, k5, k6 = jax.random.split(key, 7)
    x = jax.random.randint(k0, (16384, 32), 0, VOCAB, dtype=jnp.int64 if jax.config.jax_enable_x64 else jnp.int32)
    emb = jax.random.normal(k1, (VOCAB, EMB), dtype=jnp.float32) * 0.02
    W2 = jax.random.normal(k2, (32, 128), dtype=jnp.float32) * (1.0 / np.sqrt(128))
    b2 = jax.random.normal(k3, (32,), dtype=jnp.float32) * 0.01
    W3 = jax.random.normal(k4, (32, 64), dtype=jnp.float32) * (1.0 / np.sqrt(64))
    b3 = jax.random.normal(k5, (32,), dtype=jnp.float32) * 0.01
    W4 = jax.random.normal(k6, (1, 64), dtype=jnp.float32) * (1.0 / np.sqrt(64))
    return {"x": x, "emb": emb, "W2": W2, "b2": b2, "W3": W3, "b3": b3, "W4": W4}


def reference(x, emb, W2, b2, W3, b3, W4):
    assert x.shape[-1] == 32
    idx = x[..., :29]
    h = jnp.take(emb, idx, axis=0)          # [B, 29, 128] gather
    h = h.sum(axis=-2)                        # [B, 128]
    h = jax.nn.relu(h)
    h = h @ W2.T + b2                         # [B, 32]
    h = jnp.concatenate((h, -h), axis=-1)     # [B, 64]
    h = jax.nn.relu(h)
    h = h @ W3.T + b3                         # [B, 32]
    h = jnp.concatenate((h, -h), axis=-1)     # [B, 64]
    h = jax.nn.relu(h)
    out = h @ W4.T                            # [B, 1], no bias
    return out

if __name__ == "__main__":
    import jax
    _d = setup_inputs()
    print(jax.jit(kernel)(*tuple(_d.values())))

</pallas_src>

<mosaic_0001>
#map = affine_map<(d0, d1) -> (0)>
#map1 = affine_map<(d0, d1) -> (0, 0)>
module attributes {stable_mosaic.version = 14 : i64} {
  func.func @k(%arg0: i32, %arg1: i32, %arg2: memref<524288xi32, #tpu.memory_space<hbm>>, %arg3: memref<14848x128xf32, #tpu.memory_space<hbm>>, %arg4: memref<16384x128xf32, #tpu.memory_space<hbm>>, %arg5: memref<256xi32, #tpu.memory_space<vmem>>, %arg6: memref<256xi32, #tpu.memory_space<vmem>>, %arg7: memref<256xi32, #tpu.memory_space<vmem>>, %arg8: memref<3x256x128xf32, #tpu.memory_space<vmem>>, %arg9: memref<3x8x128xf32, #tpu.memory_space<vmem>>, %arg10: memref<!tpu.dma_semaphore, #tpu.memory_space<semaphore_mem>>, %arg11: memref<!tpu.dma_semaphore, #tpu.memory_space<semaphore_mem>>, %arg12: memref<!tpu.dma_semaphore, #tpu.memory_space<semaphore_mem>>, %arg13: memref<!tpu.dma_semaphore, #tpu.memory_space<semaphore_mem>>, %arg14: memref<!tpu.dma_semaphore, #tpu.memory_space<semaphore_mem>>, %arg15: memref<!tpu.dma_semaphore, #tpu.memory_space<semaphore_mem>>, %arg16: memref<!tpu.dma_semaphore, #tpu.memory_space<semaphore_mem>>, %arg17: memref<!tpu.dma_semaphore, #tpu.memory_space<semaphore_mem>>, %arg18: memref<!tpu.dma_semaphore, #tpu.memory_space<semaphore_mem>>) attributes {dimension_semantics = [#tpu.dimension_semantics<core_parallel>, #tpu.dimension_semantics<subcore_parallel>], iteration_bounds = array<i64: 2, 16>, scalar_prefetch = 0 : i64, scratch_operands = 14 : i64, tpu.core_type = #tpu.core_type<sc_vector_subcore>, window_params = [{transform_indices = #map}, {transform_indices = #map1}, {transform_indices = #map1}]} {
    %mul3A = arith.constant 2 : i32
    %mul3A_0 = arith.muli %arg1, %mul3A : i32
    %add3A = arith.addi %mul3A_0, %arg0 : i32
    %mul3A_1 = arith.constant 512 : i32
    %mul3A_2 = arith.muli %add3A, %mul3A_1 : i32
    %mul3A_3 = arith.constant 32 : i32
    %mul3A_4 = arith.muli %mul3A_2, %mul3A_3 : i32
    %add3A_5 = arith.constant 0 : i32
    %add3A_6 = arith.addi %mul3A_4, %add3A_5 : i32
    %dma_start3A = tpu.memref_slice %arg2[%add3A_6] : memref<524288xi32, #tpu.memory_space<hbm>> -> memref<256xi32, #tpu.memory_space<hbm>>
    %dma_start3A_7 = tpu.memref_slice %arg2[%add3A_6] : memref<524288xi32, #tpu.memory_space<hbm>> -> memref<256xi32, #tpu.memory_space<hbm>>
    tpu.enqueue_dma source(%dma_start3A_7 : memref<256xi32, #tpu.memory_space<hbm>>) target(%arg5 : memref<256xi32, #tpu.memory_space<vmem>>) target_semaphore(%arg13 : memref<!tpu.dma_semaphore, #tpu.memory_space<semaphore_mem>>)
    %add3A_8 = arith.constant 256 : i32
    %add3A_9 = arith.addi %mul3A_4, %add3A_8 : i32
    %dma_start3A_10 = tpu.memref_slice %arg2[%add3A_9] : memref<524288xi32, #tpu.memory_space<hbm>> -> memref<256xi32, #tpu.memory_space<hbm>>
    %dma_start3A_11 = tpu.memref_slice %arg2[%add3A_9] : memref<524288xi32, #tpu.memory_space<hbm>> -> memref<256xi32, #tpu.memory_space<hbm>>
    tpu.enqueue_dma source(%dma_start3A_11 : memref<256xi32, #tpu.memory_space<hbm>>) target(%arg6 : memref<256xi32, #tpu.memory_space<vmem>>) target_semaphore(%arg14 : memref<!tpu.dma_semaphore, #tpu.memory_space<semaphore_mem>>)
    %add3A_12 = arith.constant 512 : i32
    %add3A_13 = arith.addi %mul3A_4, %add3A_12 : i32
    %dma_start3A_14 = tpu.memref_slice %arg2[%add3A_13] : memref<524288xi32, #tpu.memory_space<hbm>> -> memref<256xi32, #tpu.memory_space<hbm>>
    %dma_start3A_15 = tpu.memref_slice %arg2[%add3A_13] : memref<524288xi32, #tpu.memory_space<hbm>> -> memref<256xi32, #tpu.memory_space<hbm>>
    tpu.enqueue_dma source(%dma_start3A_15 : memref<256xi32, #tpu.memory_space<hbm>>) target(%arg7 : memref<256xi32, #tpu.memory_space<vmem>>) target_semaphore(%arg15 : memref<!tpu.dma_semaphore, #tpu.memory_space<semaphore_mem>>)
    %dma_wait3A = tpu.memref_slice %arg2[%mul3A_4] : memref<524288xi32, #tpu.memory_space<hbm>> -> memref<256xi32, #tpu.memory_space<hbm>>
    %dma_wait3A_16 = tpu.memref_slice %arg2[%mul3A_4] : memref<524288xi32, #tpu.memory_space<hbm>> -> memref<256xi32, #tpu.memory_space<hbm>>
    tpu.wait_dma2 semaphore(%arg13 : memref<!tpu.dma_semaphore, #tpu.memory_space<semaphore_mem>>) src(%dma_wait3A_16 : memref<256xi32, #tpu.memory_space<hbm>>) dst(%arg5 : memref<256xi32, #tpu.memory_space<vmem>>)
    %dma_start3A_17 = arith.constant 0 : i32
    %dma_start3A_18 = arith.constant 0 : i32
    %dma_start3A_19 = arith.constant 0 : i32
    %dma_start3A_20 = tpu.memref_slice %arg8[%dma_start3A_17, %dma_start3A_18, %dma_start3A_19] : memref<3x256x128xf32, #tpu.memory_space<vmem>> -> memref<1x256x128xf32, #tpu.memory_space<vmem>>
    %dma_start3A_21 = tpu.memref_squeeze %dma_start3A_20 : memref<1x256x128xf32, #tpu.memory_space<vmem>> -> memref<256x128xf32, #tpu.memory_space<vmem>>
    %dma_start3A_22 = arith.constant 0 : i32
    %dma_start3A_23 = arith.constant 0 : i32
    %dma_start3A_24 = tpu.memref_slice %arg3[%dma_start3A_22, %dma_start3A_23] : memref<14848x128xf32, #tpu.memory_space<hbm>> -> memref<14848x128xf32, #tpu.memory_space<hbm>>
    tpu.enqueue_indirect_dma source(%dma_start3A_24 : memref<14848x128xf32, #tpu.memory_space<hbm>>) target(%dma_start3A_21 : memref<256x128xf32, #tpu.memory_space<vmem>>) offsets(%arg5 : memref<256xi32, #tpu.memory_space<vmem>>) semaphore(%arg10 : memref<!tpu.dma_semaphore, #tpu.memory_space<semaphore_mem>>)
    %dma_wait3A_25 = tpu.memref_slice %arg2[%mul3A_4] : memref<524288xi32, #tpu.memory_space<hbm>> -> memref<256xi32, #tpu.memory_space<hbm>>
    %dma_wait3A_26 = tpu.memref_slice %arg2[%mul3A_4] : memref<524288xi32, #tpu.memory_space<hbm>> -> memref<256xi32, #tpu.memory_space<hbm>>
    tpu.wait_dma2 semaphore(%arg14 : memref<!tpu.dma_semaphore, #tpu.memory_space<semaphore_mem>>) src(%dma_wait3A_26 : memref<256xi32, #tpu.memory_space<hbm>>) dst(%arg6 : memref<256xi32, #tpu.memory_space<vmem>>)
    %dma_start3A_27 = arith.constant 1 : i32
    %dma_start3A_28 = arith.constant 0 : i32
    %dma_start3A_29 = arith.constant 0 : i32
    %dma_start3A_30 = tpu.memref_slice %arg8[%dma_start3A_27, %dma_start3A_28, %dma_start3A_29] : memref<3x256x128xf32, #tpu.memory_space<vmem>> -> memref<1x256x128xf32, #tpu.memory_space<vmem>>
    %dma_start3A_31 = tpu.memref_squeeze %dma_start3A_30 : memref<1x256x128xf32, #tpu.memory_space<vmem>> -> memref<256x128xf32, #tpu.memory_space<vmem>>
    %dma_start3A_32 = arith.constant 0 : i32
    %dma_start3A_33 = arith.constant 0 : i32
    %dma_start3A_34 = tpu.memref_slice %arg3[%dma_start3A_32, %dma_start3A_33] : memref<14848x128xf32, #tpu.memory_space<hbm>> -> memref<14848x128xf32, #tpu.memory_space<hbm>>
    tpu.enqueue_indirect_dma source(%dma_start3A_34 : memref<14848x128xf32, #tpu.memory_space<hbm>>) target(%dma_start3A_31 : memref<256x128xf32, #tpu.memory_space<vmem>>) offsets(%arg6 : memref<256xi32, #tpu.memory_space<vmem>>) semaphore(%arg11 : memref<!tpu.dma_semaphore, #tpu.memory_space<semaphore_mem>>)
    %dma_wait3A_35 = tpu.memref_slice %arg2[%mul3A_4] : memref<524288xi32, #tpu.memory_space<hbm>> -> memref<256xi32, #tpu.memory_space<hbm>>
    %dma_wait3A_36 = tpu.memref_slice %arg2[%mul3A_4] : memref<524288xi32, #tpu.memory_space<hbm>> -> memref<256xi32, #tpu.memory_space<hbm>>
    tpu.wait_dma2 semaphore(%arg15 : memref<!tpu.dma_semaphore, #tpu.memory_space<semaphore_mem>>) src(%dma_wait3A_36 : memref<256xi32, #tpu.memory_space<hbm>>) dst(%arg7 : memref<256xi32, #tpu.memory_space<vmem>>)
    %dma_start3A_37 = arith.constant 2 : i32
    %dma_start3A_38 = arith.constant 0 : i32
    %dma_start3A_39 = arith.constant 0 : i32
    %dma_start3A_40 = tpu.memref_slice %arg8[%dma_start3A_37, %dma_start3A_38, %dma_start3A_39] : memref<3x256x128xf32, #tpu.memory_space<vmem>> -> memref<1x256x128xf32, #tpu.memory_space<vmem>>
    %dma_start3A_41 = tpu.memref_squeeze %dma_start3A_40 : memref<1x256x128xf32, #tpu.memory_space<vmem>> -> memref<256x128xf32, #tpu.memory_space<vmem>>
    %dma_start3A_42 = arith.constant 0 : i32
    %dma_start3A_43 = arith.constant 0 : i32
    %dma_start3A_44 = tpu.memref_slice %arg3[%dma_start3A_42, %dma_start3A_43] : memref<14848x128xf32, #tpu.memory_space<hbm>> -> memref<14848x128xf32, #tpu.memory_space<hbm>>
    tpu.enqueue_indirect_dma source(%dma_start3A_44 : memref<14848x128xf32, #tpu.memory_space<hbm>>) target(%dma_start3A_41 : memref<256x128xf32, #tpu.memory_space<vmem>>) offsets(%arg7 : memref<256xi32, #tpu.memory_space<vmem>>) semaphore(%arg12 : memref<!tpu.dma_semaphore, #tpu.memory_space<semaphore_mem>>)
    %scan3A = arith.constant 0 : i32
    %scan3A_45 = arith.constant 21 : i32
    %scan3A_46 = arith.addi %scan3A, %scan3A_45 : i32
    %scan3A_47 = arith.constant 1 : i32
    scf.for %scan3A_145 = %scan3A to %scan3A_46 step %scan3A_47  : i32 {
      %mul3A_146 = arith.constant 3 : i32
      %mul3A_147 = arith.muli %scan3A_145, %mul3A_146 : i32
      %add3A_148 = arith.constant 0 : i32
      %add3A_149 = arith.addi %add3A_148, %mul3A_147 : i32
      %add3A_150 = arith.constant 0 : i32
      %add3A_151 = arith.addi %add3A_149, %add3A_150 : i32
      %dma_wait3A_152 = arith.constant 0 : i32
      %dma_wait3A_153 = arith.constant 0 : i32
      %dma_wait3A_154 = arith.constant 0 : i32
      %dma_wait3A_155 = tpu.memref_slice %arg8[%dma_wait3A_152, %dma_wait3A_153, %dma_wait3A_154] : memref<3x256x128xf32, #tpu.memory_space<vmem>> -> memref<1x256x128xf32, #tpu.memory_space<vmem>>
      %dma_wait3A_156 = tpu.memref_squeeze %dma_wait3A_155 : memref<1x256x128xf32, #tpu.memory_space<vmem>> -> memref<256x128xf32, #tpu.memory_space<vmem>>
      %dma_wait3A_157 = arith.constant 0 : i32
      %dma_wait3A_158 = arith.constant 0 : i32
      %dma_wait3A_159 = tpu.memref_slice %arg3[%dma_wait3A_157, %dma_wait3A_158] : memref<14848x128xf32, #tpu.memory_space<hbm>> -> memref<14848x128xf32, #tpu.memory_space<hbm>>
      tpu.wait_indirect_dma semaphore(%arg10 : memref<!tpu.dma_semaphore, #tpu.memory_space<semaphore_mem>>) src(%dma_wait3A_159 : memref<14848x128xf32, #tpu.memory_space<hbm>>) dst(%dma_wait3A_156 : memref<256x128xf32, #tpu.memory_space<vmem>>)
      %add3A_160 = arith.constant 3 : i32
      %add3A_161 = arith.addi %add3A_151, %add3A_160 : i32
      %lt3A_162 = arith.constant 64 : i32
      %lt3A_163 = arith.cmpi slt, %add3A_161, %lt3A_162 : i32
      %convert_element_type3A_164 = arith.extui %lt3A_163 : i1 to i32
      %cond3A_165 = arith.constant 0 : i32
      %cond3A_166 = arith.cmpi ne, %convert_element_type3A_164, %cond3A_165 : i32
      scf.if %cond3A_166 {
        %add3A_303 = arith.constant 3 : i32
        %add3A_304 = arith.addi %add3A_151, %add3A_303 : i32
        %mul3A_305 = arith.constant 256 : i32
        %mul3A_306 = arith.muli %add3A_304, %mul3A_305 : i32
        %add3A_307 = arith.addi %mul3A_4, %mul3A_306 : i32
        %dma_start3A_308 = tpu.memref_slice %arg2[%add3A_307] : memref<524288xi32, #tpu.memory_space<hbm>> -> memref<256xi32, #tpu.memory_space<hbm>>
        %dma_start3A_309 = tpu.memref_slice %arg2[%add3A_307] : memref<524288xi32, #tpu.memory_space<hbm>> -> memref<256xi32, #tpu.memory_space<hbm>>
        tpu.enqueue_dma source(%dma_start3A_309 : memref<256xi32, #tpu.memory_space<hbm>>) target(%arg5 : memref<256xi32, #tpu.memory_space<vmem>>) target_semaphore(%arg13 : memref<!tpu.dma_semaphore, #tpu.memory_space<semaphore_mem>>)
      } else {
      }
      %ge3A_167 = arith.constant 3 : i32
      %ge3A_168 = arith.cmpi sge, %add3A_151, %ge3A_167 : i32
      %convert_element_type3A_169 = arith.extui %ge3A_168 : i1 to i32
      %cond3A_170 = arith.constant 0 : i32
      %cond3A_171 = arith.cmpi ne, %convert_element_type3A_169, %cond3A_170 : i32
      scf.if %cond3A_171 {
        %sub3A = arith.constant 3 : i32
        %sub3A_303 = arith.subi %add3A_151, %sub3A : i32
        %mul3A_304 = arith.constant 8 : i32
        %mul3A_305 = arith.muli %sub3A_303, %mul3A_304 : i32
        %add3A_306 = arith.addi %mul3A_2, %mul3A_305 : i32
        %dma_wait3A_307 = arith.constant 0 : i32
        %dma_wait3A_308 = arith.constant 0 : i32
        %dma_wait3A_309 = arith.constant 0 : i32
        %dma_wait3A_310 = tpu.memref_slice %arg9[%dma_wait3A_307, %dma_wait3A_308, %dma_wait3A_309] : memref<3x8x128xf32, #tpu.memory_space<vmem>> -> memref<1x8x128xf32, #tpu.memory_space<vmem>>
        %dma_wait3A_311 = tpu.memref_squeeze %dma_wait3A_310 : memref<1x8x128xf32, #tpu.memory_space<vmem>> -> memref<8x128xf32, #tpu.memory_space<vmem>>
        %dma_wait3A_312 = arith.constant 0 : i32
        %dma_wait3A_313 = tpu.memref_slice %arg4[%add3A_306, %dma_wait3A_312] : memref<16384x128xf32, #tpu.memory_space<hbm>> -> memref<8x128xf32, #tpu.memory_space<hbm>>
        %dma_wait3A_314 = arith.constant 0 : i32
        %dma_wait3A_315 = tpu.memref_slice %arg4[%add3A_306, %dma_wait3A_314] : memref<16384x128xf32, #tpu.memory_space<hbm>> -> memref<8x128xf32, #tpu.memory_space<hbm>>
        %dma_wait3A_316 = arith.constant 0 : i32
        %dma_wait3A_317 = arith.constant 0 : i32
        %dma_wait3A_318 = tpu.memref_slice %arg9[%dma_wait3A_307, %dma_wait3A_316, %dma_wait3A_317] : memref<3x8x128xf32, #tpu.memory_space<vmem>> -> memref<1x8x128xf32, #tpu.memory_space<vmem>>
        %dma_wait3A_319 = tpu.memref_squeeze %dma_wait3A_318 : memref<1x8x128xf32, #tpu.memory_space<vmem>> -> memref<8x128xf32, #tpu.memory_space<vmem>>
        tpu.wait_dma2 semaphore(%arg16 : memref<!tpu.dma_semaphore, #tpu.memory_space<semaphore_mem>>) src(%dma_wait3A_319 : memref<8x128xf32, #tpu.memory_space<vmem>>) dst(%dma_wait3A_315 : memref<8x128xf32, #tpu.memory_space<hbm>>)
      } else {
      }
      %scan3A_172 = arith.constant 0 : i32
      %scan3A_173 = arith.constant 0 : i32
      %scan3A_174 = arith.constant 8 : i32
      %scan3A_175 = arith.addi %scan3A_173, %scan3A_174 : i32
      %scan3A_176 = arith.constant 1 : i32
      scf.for %scan3A_303 = %scan3A_173 to %scan3A_175 step %scan3A_176  : i32 {
        %broadcast_in_dim3A = arith.constant 0.000000e+00 : f32
        %broadcast_in_dim3A_304 = vector.broadcast %broadcast_in_dim3A : f32 to vector<16xf32>
        %broadcast_in_dim3A_305 = arith.constant 0.000000e+00 : f32
        %broadcast_in_dim3A_306 = vector.broadcast %broadcast_in_dim3A_305 : f32 to vector<16xf32>
        %broadcast_in_dim3A_307 = arith.constant 0.000000e+00 : f32
        %broadcast_in_dim3A_308 = vector.broadcast %broadcast_in_dim3A_307 : f32 to vector<16xf32>
        %broadcast_in_dim3A_309 = arith.constant 0.000000e+00 : f32
        %broadcast_in_dim3A_310 = vector.broadcast %broadcast_in_dim3A_309 : f32 to vector<16xf32>
        %broadcast_in_dim3A_311 = arith.constant 0.000000e+00 : f32
        %broadcast_in_dim3A_312 = vector.broadcast %broadcast_in_dim3A_311 : f32 to vector<16xf32>
        %broadcast_in_dim3A_313 = arith.constant 0.000000e+00 : f32
        %broadcast_in_dim3A_314 = vector.broadcast %broadcast_in_dim3A_313 : f32 to vector<16xf32>
        %broadcast_in_dim3A_315 = arith.constant 0.000000e+00 : f32
        %broadcast_in_dim3A_316 = vector.broadcast %broadcast_in_dim3A_315 : f32 to vector<16xf32>
        %broadcast_in_dim3A_317 = arith.constant 0.000000e+00 : f32
        %broadcast_in_dim3A_318 = vector.broadcast %broadcast_in_dim3A_317 : f32 to vector<16xf32>
        %scan3A_319 = arith.constant 0 : i32
        %scan3A_320 = arith.constant 29 : i32
        %scan3A_321 = arith.addi %scan3A_319, %scan3A_320 : i32
        %scan3A_322 = arith.constant 1 : i32
        %scan3A_323:8 = scf.for %scan3A_380 = %scan3A_319 to %scan3A_321 step %scan3A_322 iter_args(%scan3A_381 = %broadcast_in_dim3A_304, %scan3A_382 = %broadcast_in_dim3A_306, %scan3A_383 = %broadcast_in_dim3A_308, %scan3A_384 = %broadcast_in_dim3A_310, %scan3A_385 = %broadcast_in_dim3A_312, %scan3A_386 = %broadcast_in_dim3A_314, %scan3A_387 = %broadcast_in_dim3A_316, %scan3A_388 = %broadcast_in_dim3A_318) -> (vector<16xf32>, vector<16xf32>, vector<16xf32>, vector<16xf32>, vector<16xf32>, vector<16xf32>, vector<16xf32>, vector<16xf32>)  : i32 {
          %mul3A_389 = arith.constant 32 : i32
          %mul3A_390 = arith.muli %scan3A_303, %mul3A_389 : i32
          %add3A_391 = arith.addi %mul3A_390, %scan3A_380 : i32
          %get3A = arith.constant 0 : i32
          %get3A_392 = arith.index_cast %get3A : i32 to index
          %get3A_393 = arith.index_cast %add3A_391 : i32 to index
          %get3A_394 = arith.constant 0 : index
          %get3A_395 = tpu.vector_load %arg8[%get3A_392, %get3A_393, %get3A_394] {strides = array<i32>} : memref<3x256x128xf32, #tpu.memory_space<vmem>>, vector<1x1x16xf32>,
          %get3A_396 = vector.shape_cast %get3A_395 : vector<1x1x16xf32> to vector<16xf32>
          %add3A_397 = arith.addf %scan3A_381, %get3A_396 : vector<16xf32>
          %get3A_398 = arith.constant 0 : i32
          %get3A_399 = arith.index_cast %get3A_398 : i32 to index
          %get3A_400 = arith.index_cast %add3A_391 : i32 to index
          %get3A_401 = arith.constant 16 : index
          %get3A_402 = tpu.vector_load %arg8[%get3A_399, %get3A_400, %get3A_401] {strides = array<i32>} : memref<3x256x128xf32, #tpu.memory_space<vmem>>, vector<1x1x16xf32>,
          %get3A_403 = vector.shape_cast %get3A_402 : vector<1x1x16xf32> to vector<16xf32>
          %add3A_404 = arith.addf %scan3A_382, %get3A_403 : vector<16xf32>
          %get3A_405 = arith.constant 0 : i32
          %get3A_406 = arith.index_cast %get3A_405 : i32 to index
          %get3A_407 = arith.index_cast %add3A_391 : i32 to index
          %get3A_408 = arith.constant 32 : index
          %get3A_409 = tpu.vector_load %arg8[%get3A_406, %get3A_407, %get3A_408] {strides = array<i32>} : memref<3x256x128xf32, #tpu.memory_space<vmem>>, vector<1x1x16xf32>,
          %get3A_410 = vector.shape_cast %get3A_409 : vector<1x1x16xf32> to vector<16xf32>
          %add3A_411 = arith.addf %scan3A_383, %get3A_410 : vector<16xf32>
          %get3A_412 = arith.constant 0 : i32
          %get3A_413 = arith.index_cast %get3A_412 : i32 to index
          %get3A_414 = arith.index_cast %add3A_391 : i32 to index
          %get3A_415 = arith.constant 48 : index
          %get3A_416 = tpu.vector_load %arg8[%get3A_413, %get3A_414, %get3A_415] {strides = array<i32>} : memref<3x256x128xf32, #tpu.memory_space<vmem>>, vector<1x1x16xf32>,
          %get3A_417 = vector.shape_cast %get3A_416 : vector<1x1x16xf32> to vector<16xf32>
          %add3A_418 = arith.addf %scan3A_384, %get3A_417 : vector<16xf32>
          %get3A_419 = arith.constant 0 : i32
          %get3A_420 = arith.index_cast %get3A_419 : i32 to index
          %get3A_421 = arith.index_cast %add3A_391 : i32 to index
          %get3A_422 = arith.constant 64 : index
          %get3A_423 = tpu.vector_load %arg8[%get3A_420, %get3A_421, %get3A_422] {strides = array<i32>} : memref<3x256x128xf32, #tpu.memory_space<vmem>>, vector<1x1x16xf32>,
          %get3A_424 = vector.shape_cast %get3A_423 : vector<1x1x16xf32> to vector<16xf32>
          %add3A_425 = arith.addf %scan3A_385, %get3A_424 : vector<16xf32>
          %get3A_426 = arith.constant 0 : i32
          %get3A_427 = arith.index_cast %get3A_426 : i32 to index
          %get3A_428 = arith.index_cast %add3A_391 : i32 to index
          %get3A_429 = arith.constant 80 : index
          %get3A_430 = tpu.vector_load %arg8[%get3A_427, %get3A_428, %get3A_429] {strides = array<i32>} : memref<3x256x128xf32, #tpu.memory_space<vmem>>, vector<1x1x16xf32>,
          %get3A_431 = vector.shape_cast %get3A_430 : vector<1x1x16xf32> to vector<16xf32>
          %add3A_432 = arith.addf %scan3A_386, %get3A_431 : vector<16xf32>
          %get3A_433 = arith.constant 0 : i32
          %get3A_434 = arith.index_cast %get3A_433 : i32 to index
          %get3A_435 = arith.index_cast %add3A_391 : i32 to index
          %get3A_436 = arith.constant 96 : index
          %get3A_437 = tpu.vector_load %arg8[%get3A_434, %get3A_435, %get3A_436] {strides = array<i32>} : memref<3x256x128xf32, #tpu.memory_space<vmem>>, vector<1x1x16xf32>,
          %get3A_438 = vector.shape_cast %get3A_437 : vector<1x1x16xf32> to vector<16xf32>
          %add3A_439 = arith.addf %scan3A_387, %get3A_438 : vector<16xf32>
          %get3A_440 = arith.constant 0 : i32
          %get3A_441 = arith.index_cast %get3A_440 : i32 to index
          %get3A_442 = arith.index_cast %add3A_391 : i32 to index
          %get3A_443 = arith.constant 112 : index
          %get3A_444 = tpu.vector_load %arg8[%get3A_441, %get3A_442, %get3A_443] {strides = array<i32>} : memref<3x256x128xf32, #tpu.memory_space<vmem>>, vector<1x1x16xf32>,
          %get3A_445 = vector.shape_cast %get3A_444 : vector<1x1x16xf32> to vector<16xf32>
          %add3A_446 = arith.addf %scan3A_388, %get3A_445 : vector<16xf32>
          scf.yield %add3A_397, %add3A_404, %add3A_411, %add3A_418, %add3A_425, %add3A_432, %add3A_439, %add3A_446 : vector<16xf32>, vector<16xf32>, vector<16xf32>, vector<16xf32>, vector<16xf32>, vector<16xf32>, vector<16xf32>, vector<16xf32>
        }
        %scan3A_324 = arith.constant 29 : i32
        %swap3A = arith.constant 0 : i32
        %swap3A_325 = arith.index_cast %swap3A : i32 to index
        %swap3A_326 = arith.index_cast %scan3A_303 : i32 to index
        %swap3A_327 = arith.constant 0 : index
        %swap3A_328 = tpu.vector_load %arg9[%swap3A_325, %swap3A_326, %swap3A_327] {strides = array<i32>} : memref<3x8x128xf32, #tpu.memory_space<vmem>>, vector<1x1x16xf32>,
        %swap3A_329 = vector.shape_cast %swap3A_328 : vector<1x1x16xf32> to vector<16xf32>
        %swap3A_330 = vector.shape_cast %scan3A_323#0 : vector<16xf32> to vector<1x1x16xf32>
        tpu.vector_store %arg9[%swap3A_325, %swap3A_326, %swap3A_327], %swap3A_330 {strides = array<i32>} : memref<3x8x128xf32, #tpu.memory_space<vmem>>, vector<1x1x16xf32>,
        %swap3A_331 = arith.constant 0 : i32
        %swap3A_332 = arith.index_cast %swap3A_331 : i32 to index
        %swap3A_333 = arith.index_cast %scan3A_303 : i32 to index
        %swap3A_334 = arith.constant 16 : index
        %swap3A_335 = tpu.vector_load %arg9[%swap3A_332, %swap3A_333, %swap3A_334] {strides = array<i32>} : memref<3x8x128xf32, #tpu.memory_space<vmem>>, vector<1x1x16xf32>,
        %swap3A_336 = vector.shape_cast %swap3A_335 : vector<1x1x16xf32> to vector<16xf32>
        %swap3A_337 = vector.shape_cast %scan3A_323#1 : vector<16xf32> to vector<1x1x16xf32>
        tpu.vector_store %arg9[%swap3A_332, %swap3A_333, %swap3A_334], %swap3A_337 {strides = array<i32>} : memref<3x8x128xf32, #tpu.memory_space<vmem>>, vector<1x1x16xf32>,
        %swap3A_338 = arith.constant 0 : i32
        %swap3A_339 = arith.index_cast %swap3A_338 : i32 to index
        %swap3A_340 = arith.index_cast %scan3A_303 : i32 to index
        %swap3A_341 = arith.constant 32 : index
        %swap3A_342 = tpu.vector_load %arg9[%swap3A_339, %swap3A_340, %swap3A_341] {strides = array<i32>} : memref<3x8x128xf32, #tpu.memory_space<vmem>>, vector<1x1x16xf32>,
        %swap3A_343 = vector.shape_cast %swap3A_342 : vector<1x1x16xf32> to vector<16xf32>
        %swap3A_344 = vector.shape_cast %scan3A_323#2 : vector<16xf32> to vector<1x1x16xf32>
        tpu.vector_store %arg9[%swap3A_339, %swap3A_340, %swap3A_341], %swap3A_344 {strides = array<i32>} : memref<3x8x128xf32, #tpu.memory_space<vmem>>, vector<1x1x16xf32>,
        %swap3A_345 = arith.constant 0 : i32
        %swap3A_346 = arith.index_cast %swap3A_345 : i32 to index
        %swap3A_347 = arith.index_cast %scan3A_303 : i32 to index
        %swap3A_348 = arith.constant 48 : index
        %swap3A_349 = tpu.vector_load %arg9[%swap3A_346, %swap3A_347, %swap3A_348] {strides = array<i32>} : memref<3x8x128xf32, #tpu.memory_space<vmem>>, vector<1x1x16xf32>,
        %swap3A_350 = vector.shape_cast %swap3A_349 : vector<1x1x16xf32> to vector<16xf32>
        %swap3A_351 = vector.shape_cast %scan3A_323#3 : vector<16xf32> to vector<1x1x16xf32>
        tpu.vector_store %arg9[%swap3A_346, %swap3A_347, %swap3A_348], %swap3A_351 {strides = array<i32>} : memref<3x8x128xf32, #tpu.memory_space<vmem>>, vector<1x1x16xf32>,
        %swap3A_352 = arith.constant 0 : i32
        %swap3A_353 = arith.index_cast %swap3A_352 : i32 to index
        %swap3A_354 = arith.index_cast %scan3A_303 : i32 to index
        %swap3A_355 = arith.constant 64 : index
        %swap3A_356 = tpu.vector_load %arg9[%swap3A_353, %swap3A_354, %swap3A_355] {strides = array<i32>} : memref<3x8x128xf32, #tpu.memory_space<vmem>>, vector<1x1x16xf32>,
        %swap3A_357 = vector.shape_cast %swap3A_356 : vector<1x1x16xf32> to vector<16xf32>
        %swap3A_358 = vector.shape_cast %scan3A_323#4 : vector<16xf32> to vector<1x1x16xf32>
        tpu.vector_store %arg9[%swap3A_353, %swap3A_354, %swap3A_355], %swap3A_358 {strides = array<i32>} : memref<3x8x128xf32, #tpu.memory_space<vmem>>, vector<1x1x16xf32>,
        %swap3A_359 = arith.constant 0 : i32
        %swap3A_360 = arith.index_cast %swap3A_359 : i32 to index
        %swap3A_361 = arith.index_cast %scan3A_303 : i32 to index
        %swap3A_362 = arith.constant 80 : index
        %swap3A_363 = tpu.vector_load %arg9[%swap3A_360, %swap3A_361, %swap3A_362] {strides = array<i32>} : memref<3x8x128xf32, #tpu.memory_space<vmem>>, vector<1x1x16xf32>,
        %swap3A_364 = vector.shape_cast %swap3A_363 : vector<1x1x16xf32> to vector<16xf32>
        %swap3A_365 = vector.shape_cast %scan3A_323#5 : vector<16xf32> to vector<1x1x16xf32>
        tpu.vector_store %arg9[%swap3A_360, %swap3A_361, %swap3A_362], %swap3A_365 {strides = array<i32>} : memref<3x8x128xf32, #tpu.memory_space<vmem>>, vector<1x1x16xf32>,
        %swap3A_366 = arith.constant 0 : i32
        %swap3A_367 = arith.index_cast %swap3A_366 : i32 to index
        %swap3A_368 = arith.index_cast %scan3A_303 : i32 to index
        %swap3A_369 = arith.constant 96 : index
        %swap3A_370 = tpu.vector_load %arg9[%swap3A_367, %swap3A_368, %swap3A_369] {strides = array<i32>} : memref<3x8x128xf32, #tpu.memory_space<vmem>>, vector<1x1x16xf32>,
        %swap3A_371 = vector.shape_cast %swap3A_370 : vector<1x1x16xf32> to vector<16xf32>
        %swap3A_372 = vector.shape_cast %scan3A_323#6 : vector<16xf32> to vector<1x1x16xf32>
        tpu.vector_store %arg9[%swap3A_367, %swap3A_368, %swap3A_369], %swap3A_372 {strides = array<i32>} : memref<3x8x128xf32, #tpu.memory_space<vmem>>, vector<1x1x16xf32>,
        %swap3A_373 = arith.constant 0 : i32
        %swap3A_374 = arith.index_cast %swap3A_373 : i32 to index
        %swap3A_375 = arith.index_cast %scan3A_303 : i32 to index
        %swap3A_376 = arith.constant 112 : index
        %swap3A_377 = tpu.vector_load %arg9[%swap3A_374, %swap3A_375, %swap3A_376] {strides = array<i32>} : memref<3x8x128xf32, #tpu.memory_space<vmem>>, vector<1x1x16xf32>,
        %swap3A_378 = vector.shape_cast %swap3A_377 : vector<1x1x16xf32> to vector<16xf32>
        %swap3A_379 = vector.shape_cast %scan3A_323#7 : vector<16xf32> to vector<1x1x16xf32>
        tpu.vector_store %arg9[%swap3A_374, %swap3A_375, %swap3A_376], %swap3A_379 {strides = array<i32>} : memref<3x8x128xf32, #tpu.memory_space<vmem>>, vector<1x1x16xf32>,
      }
      %scan3A_177 = arith.constant 8 : i32
      %mul3A_178 = arith.constant 8 : i32
      %mul3A_179 = arith.muli %add3A_151, %mul3A_178 : i32
      %add3A_180 = arith.addi %mul3A_2, %mul3A_179 : i32
      %dma_start3A_181 = arith.constant 0 : i32
      %dma_start3A_182 = arith.constant 0 : i32
      %dma_start3A_183 = arith.constant 0 : i32
      %dma_start3A_184 = tpu.memref_slice %arg9[%dma_start3A_181, %dma_start3A_182, %dma_start3A_183] : memref<3x8x128xf32, #tpu.memory_space<vmem>> -> memref<1x8x128xf32, #tpu.memory_space<vmem>>
      %dma_start3A_185 = tpu.memref_squeeze %dma_start3A_184 : memref<1x8x128xf32, #tpu.memory_space<vmem>> -> memref<8x128xf32, #tpu.memory_space<vmem>>
      %dma_start3A_186 = arith.constant 0 : i32
      %dma_start3A_187 = tpu.memref_slice %arg4[%add3A_180, %dma_start3A_186] : memref<16384x128xf32, #tpu.memory_space<hbm>> -> memref<8x128xf32, #tpu.memory_space<hbm>>
      %dma_start3A_188 = arith.constant 0 : i32
      %dma_start3A_189 = tpu.memref_slice %arg4[%add3A_180, %dma_start3A_188] : memref<16384x128xf32, #tpu.memory_space<hbm>> -> memref<8x128xf32, #tpu.memory_space<hbm>>
      %dma_start3A_190 = arith.constant 0 : i32
      %dma_start3A_191 = arith.constant 0 : i32
      %dma_start3A_192 = tpu.memref_slice %arg9[%dma_start3A_181, %dma_start3A_190, %dma_start3A_191] : memref<3x8x128xf32, #tpu.memory_space<vmem>> -> memref<1x8x128xf32, #tpu.memory_space<vmem>>
      %dma_start3A_193 = tpu.memref_squeeze %dma_start3A_192 : memref<1x8x128xf32, #tpu.memory_space<vmem>> -> memref<8x128xf32, #tpu.memory_space<vmem>>
      tpu.enqueue_dma source(%dma_start3A_193 : memref<8x128xf32, #tpu.memory_space<vmem>>) target(%dma_start3A_189 : memref<8x128xf32, #tpu.memory_space<hbm>>) target_semaphore(%arg16 : memref<!tpu.dma_semaphore, #tpu.memory_space<semaphore_mem>>)
      %add3A_194 = arith.constant 3 : i32
      %add3A_195 = arith.addi %add3A_151, %add3A_194 : i32
      %lt3A_196 = arith.constant 64 : i32
      %lt3A_197 = arith.cmpi slt, %add3A_195, %lt3A_196 : i32
      %convert_element_type3A_198 = arith.extui %lt3A_197 : i1 to i32
      %cond3A_199 = arith.constant 0 : i32
      %cond3A_200 = arith.cmpi ne, %convert_element_type3A_198, %cond3A_199 : i32
      scf.if %cond3A_200 {
        %dma_wait3A_303 = tpu.memref_slice %arg2[%mul3A_4] : memref<524288xi32, #tpu.memory_space<hbm>> -> memref<256xi32, #tpu.memory_space<hbm>>
        %dma_wait3A_304 = tpu.memref_slice %arg2[%mul3A_4] : memref<524288xi32, #tpu.memory_space<hbm>> -> memref<256xi32, #tpu.memory_space<hbm>>
        tpu.wait_dma2 semaphore(%arg13 : memref<!tpu.dma_semaphore, #tpu.memory_space<semaphore_mem>>) src(%dma_wait3A_304 : memref<256xi32, #tpu.memory_space<hbm>>) dst(%arg5 : memref<256xi32, #tpu.memory_space<vmem>>)
        %dma_start3A_305 = arith.constant 0 : i32
        %dma_start3A_306 = arith.constant 0 : i32
        %dma_start3A_307 = arith.constant 0 : i32
        %dma_start3A_308 = tpu.memref_slice %arg8[%dma_start3A_305, %dma_start3A_306, %dma_start3A_307] : memref<3x256x128xf32, #tpu.memory_space<vmem>> -> memref<1x256x128xf32, #tpu.memory_space<vmem>>
        %dma_start3A_309 = tpu.memref_squeeze %dma_start3A_308 : memref<1x256x128xf32, #tpu.memory_space<vmem>> -> memref<256x128xf32, #tpu.memory_space<vmem>>
        %dma_start3A_310 = arith.constant 0 : i32
        %dma_start3A_311 = arith.constant 0 : i32
        %dma_start3A_312 = tpu.memref_slice %arg3[%dma_start3A_310, %dma_start3A_311] : memref<14848x128xf32, #tpu.memory_space<hbm>> -> memref<14848x128xf32, #tpu.memory_space<hbm>>
        tpu.enqueue_indirect_dma source(%dma_start3A_312 : memref<14848x128xf32, #tpu.memory_space<hbm>>) target(%dma_start3A_309 : memref<256x128xf32, #tpu.memory_space<vmem>>) offsets(%arg5 : memref<256xi32, #tpu.memory_space<vmem>>) semaphore(%arg10 : memref<!tpu.dma_semaphore, #tpu.memory_space<semaphore_mem>>)
      } else {
      }
      %add3A_201 = arith.constant 1 : i32
      %add3A_202 = arith.addi %add3A_149, %add3A_201 : i32
      %dma_wait3A_203 = arith.constant 1 : i32
      %dma_wait3A_204 = arith.constant 0 : i32
      %dma_wait3A_205 = arith.constant 0 : i32
      %dma_wait3A_206 = tpu.memref_slice %arg8[%dma_wait3A_203, %dma_wait3A_204, %dma_wait3A_205] : memref<3x256x128xf32, #tpu.memory_space<vmem>> -> memref<1x256x128xf32, #tpu.memory_space<vmem>>
      %dma_wait3A_207 = tpu.memref_squeeze %dma_wait3A_206 : memref<1x256x128xf32, #tpu.memory_space<vmem>> -> memref<256x128xf32, #tpu.memory_space<vmem>>
      %dma_wait3A_208 = arith.constant 0 : i32
      %dma_wait3A_209 = arith.constant 0 : i32
      %dma_wait3A_210 = tpu.memref_slice %arg3[%dma_wait3A_208, %dma_wait3A_209] : memref<14848x128xf32, #tpu.memory_space<hbm>> -> memref<14848x128xf32, #tpu.memory_space<hbm>>
      tpu.wait_indirect_dma semaphore(%arg11 : memref<!tpu.dma_semaphore, #tpu.memory_space<semaphore_mem>>) src(%dma_wait3A_210 : memref<14848x128xf32, #tpu.memory_space<hbm>>) dst(%dma_wait3A_207 : memref<256x128xf32, #tpu.memory_space<vmem>>)
      %add3A_211 = arith.constant 3 : i32
      %add3A_212 = arith.addi %add3A_202, %add3A_211 : i32
      %lt3A_213 = arith.constant 64 : i32
      %lt3A_214 = arith.cmpi slt, %add3A_212, %lt3A_213 : i32
      %convert_element_type3A_215 = arith.extui %lt3A_214 : i1 to i32
      %cond3A_216 = arith.constant 0 : i32
      %cond3A_217 = arith.cmpi ne, %convert_element_type3A_215, %cond3A_216 : i32
      scf.if %cond3A_217 {
        %add3A_303 = arith.constant 3 : i32
        %add3A_304 = arith.addi %add3A_202, %add3A_303 : i32
        %mul3A_305 = arith.constant 256 : i32
        %mul3A_306 = arith.muli %add3A_304, %mul3A_305 : i32
        %add3A_307 = arith.addi %mul3A_4, %mul3A_306 : i32
        %dma_start3A_308 = tpu.memref_slice %arg2[%add3A_307] : memref<524288xi32, #tpu.memory_space<hbm>> -> memref<256xi32, #tpu.memory_space<hbm>>
        %dma_start3A_309 = tpu.memref_slice %arg2[%add3A_307] : memref<524288xi32, #tpu.memory_space<hbm>> -> memref<256xi32, #tpu.memory_space<hbm>>
        tpu.enqueue_dma source(%dma_start3A_309 : memref<256xi32, #tpu.memory_space<hbm>>) target(%arg6 : memref<256xi32, #tpu.memory_space<vmem>>) target_semaphore(%arg14 : memref<!tpu.dma_semaphore, #tpu.memory_space<semaphore_mem>>)
      } else {
      }
      %ge3A_218 = arith.constant 3 : i32
      %ge3A_219 = arith.cmpi sge, %add3A_202, %ge3A_218 : i32
      %convert_element_type3A_220 = arith.extui %ge3A_219 : i1 to i32
      %cond3A_221 = arith.constant 0 : i32
      %cond3A_222 = arith.cmpi ne, %convert_element_type3A_220, %cond3A_221 : i32
      scf.if %cond3A_222 {
        %sub3A = arith.constant 3 : i32
        %sub3A_303 = arith.subi %add3A_202, %sub3A : i32
        %mul3A_304 = arith.constant 8 : i32
        %mul3A_305 = arith.muli %sub3A_303, %mul3A_304 : i32
        %add3A_306 = arith.addi %mul3A_2, %mul3A_305 : i32
        %dma_wait3A_307 = arith.constant 1 : i32
        %dma_wait3A_308 = arith.constant 0 : i32
        %dma_wait3A_309 = arith.constant 0 : i32
        %dma_wait3A_310 = tpu.memref_slice %arg9[%dma_wait3A_307, %dma_wait3A_308, %dma_wait3A_309] : memref<3x8x128xf32, #tpu.memory_space<vmem>> -> memref<1x8x128xf32, #tpu.memory_space<vmem>>
        %dma_wait3A_311 = tpu.memref_squeeze %dma_wait3A_310 : memref<1x8x128xf32, #tpu.memory_space<vmem>> -> memref<8x128xf32, #tpu.memory_space<vmem>>
        %dma_wait3A_312 = arith.constant 0 : i32
        %dma_wait3A_313 = tpu.memref_slice %arg4[%add3A_306, %dma_wait3A_312] : memref<16384x128xf32, #tpu.memory_space<hbm>> -> memref<8x128xf32, #tpu.memory_space<hbm>>
        %dma_wait3A_314 = arith.constant 0 : i32
        %dma_wait3A_315 = tpu.memref_slice %arg4[%add3A_306, %dma_wait3A_314] : memref<16384x128xf32, #tpu.memory_space<hbm>> -> memref<8x128xf32, #tpu.memory_space<hbm>>
        %dma_wait3A_316 = arith.constant 0 : i32
        %dma_wait3A_317 = arith.constant 0 : i32
        %dma_wait3A_318 = tpu.memref_slice %arg9[%dma_wait3A_307, %dma_wait3A_316, %dma_wait3A_317] : memref<3x8x128xf32, #tpu.memory_space<vmem>> -> memref<1x8x128xf32, #tpu.memory_space<vmem>>
        %dma_wait3A_319 = tpu.memref_squeeze %dma_wait3A_318 : memref<1x8x128xf32, #tpu.memory_space<vmem>> -> memref<8x128xf32, #tpu.memory_space<vmem>>
        tpu.wait_dma2 semaphore(%arg17 : memref<!tpu.dma_semaphore, #tpu.memory_space<semaphore_mem>>) src(%dma_wait3A_319 : memref<8x128xf32, #tpu.memory_space<vmem>>) dst(%dma_wait3A_315 : memref<8x128xf32, #tpu.memory_space<hbm>>)
      } else {
      }
      %scan3A_223 = arith.constant 0 : i32
      %scan3A_224 = arith.constant 0 : i32
      %scan3A_225 = arith.constant 8 : i32
      %scan3A_226 = arith.addi %scan3A_224, %scan3A_225 : i32
      %scan3A_227 = arith.constant 1 : i32
      scf.for %scan3A_303 = %scan3A_224 to %scan3A_226 step %scan3A_227  : i32 {
        %broadcast_in_dim3A = arith.constant 0.000000e+00 : f32
        %broadcast_in_dim3A_304 = vector.broadcast %broadcast_in_dim3A : f32 to vector<16xf32>
        %broadcast_in_dim3A_305 = arith.constant 0.000000e+00 : f32
        %broadcast_in_dim3A_306 = vector.broadcast %broadcast_in_dim3A_305 : f32 to vector<16xf32>
        %broadcast_in_dim3A_307 = arith.constant 0.000000e+00 : f32
        %broadcast_in_dim3A_308 = vector.broadcast %broadcast_in_dim3A_307 : f32 to vector<16xf32>
        %broadcast_in_dim3A_309 = arith.constant 0.000000e+00 : f32
        %broadcast_in_dim3A_310 = vector.broadcast %broadcast_in_dim3A_309 : f32 to vector<16xf32>
        %broadcast_in_dim3A_311 = arith.constant 0.000000e+00 : f32
        %broadcast_in_dim3A_312 = vector.broadcast %broadcast_in_dim3A_311 : f32 to vector<16xf32>
        %broadcast_in_dim3A_313 = arith.constant 0.000000e+00 : f32
        %broadcast_in_dim3A_314 = vector.broadcast %broadcast_in_dim3A_313 : f32 to vector<16xf32>
        %broadcast_in_dim3A_315 = arith.constant 0.000000e+00 : f32
        %broadcast_in_dim3A_316 = vector.broadcast %broadcast_in_dim3A_315 : f32 to vector<16xf32>
        %broadcast_in_dim3A_317 = arith.constant 0.000000e+00 : f32
        %broadcast_in_dim3A_318 = vector.broadcast %broadcast_in_dim3A_317 : f32 to vector<16xf32>
        %scan3A_319 = arith.constant 0 : i32
        %scan3A_320 = arith.constant 29 : i32
        %scan3A_321 = arith.addi %scan3A_319, %scan3A_320 : i32
        %scan3A_322 = arith.constant 1 : i32
        %scan3A_323:8 = scf.for %scan3A_380 = %scan3A_319 to %scan3A_321 step %scan3A_322 iter_args(%scan3A_381 = %broadcast_in_dim3A_304, %scan3A_382 = %broadcast_in_dim3A_306, %scan3A_383 = %broadcast_in_dim3A_308, %scan3A_384 = %broadcast_in_dim3A_310, %scan3A_385 = %broadcast_in_dim3A_312, %scan3A_386 = %broadcast_in_dim3A_314, %scan3A_387 = %broadcast_in_dim3A_316, %scan3A_388 = %broadcast_in_dim3A_318) -> (vector<16xf32>, vector<16xf32>, vector<16xf32>, vector<16xf32>, vector<16xf32>, vector<16xf32>, vector<16xf32>, vector<16xf32>)  : i32 {
          %mul3A_389 = arith.constant 32 : i32
          %mul3A_390 = arith.muli %scan3A_303, %mul3A_389 : i32
          %add3A_391 = arith.addi %mul3A_390, %scan3A_380 : i32
          %get3A = arith.constant 1 : i32
          %get3A_392 = arith.index_cast %get3A : i32 to index
          %get3A_393 = arith.index_cast %add3A_391 : i32 to index
          %get3A_394 = arith.constant 0 : index
          %get3A_395 = tpu.vector_load %arg8[%get3A_392, %get3A_393, %get3A_394] {strides = array<i32>} : memref<3x256x128xf32, #tpu.memory_space<vmem>>, vector<1x1x16xf32>,
          %get3A_396 = vector.shape_cast %get3A_395 : vector<1x1x16xf32> to vector<16xf32>
          %add3A_397 = arith.addf %scan3A_381, %get3A_396 : vector<16xf32>
          %get3A_398 = arith.constant 1 : i32
          %get3A_399 = arith.index_cast %get3A_398 : i32 to index
          %get3A_400 = arith.index_cast %add3A_391 : i32 to index
          %get3A_401 = arith.constant 16 : index
          %get3A_402 = tpu.vector_load %arg8[%get3A_399, %get3A_400, %get3A_401] {strides = array<i32>} : memref<3x256x128xf32, #tpu.memory_space<vmem>>, vector<1x1x16xf32>,
          %get3A_403 = vector.shape_cast %get3A_402 : vector<1x1x16xf32> to vector<16xf32>
          %add3A_404 = arith.addf %scan3A_382, %get3A_403 : vector<16xf32>
          %get3A_405 = arith.constant 1 : i32
          %get3A_406 = arith.index_cast %get3A_405 : i32 to index
          %get3A_407 = arith.index_cast %add3A_391 : i32 to index
          %get3A_408 = arith.constant 32 : index
          %get3A_409 = tpu.vector_load %arg8[%get3A_406, %get3A_407, %get3A_408] {strides = array<i32>} : memref<3x256x128xf32, #tpu.memory_space<vmem>>, vector<1x1x16xf32>,
          %get3A_410 = vector.shape_cast %get3A_409 : vector<1x1x16xf32> to vector<16xf32>
          %add3A_411 = arith.addf %scan3A_383, %get3A_410 : vector<16xf32>
          %get3A_412 = arith.constant 1 : i32
          %get3A_413 = arith.index_cast %get3A_412 : i32 to index
          %get3A_414 = arith.index_cast %add3A_391 : i32 to index
          %get3A_415 = arith.constant 48 : index
          %get3A_416 = tpu.vector_load %arg8[%get3A_413, %get3A_414, %get3A_415] {strides = array<i32>} : memref<3x256x128xf32, #tpu.memory_space<vmem>>, vector<1x1x16xf32>,
          %get3A_417 = vector.shape_cast %get3A_416 : vector<1x1x16xf32> to vector<16xf32>
          %add3A_418 = arith.addf %scan3A_384, %get3A_417 : vector<16xf32>
          %get3A_419 = arith.constant 1 : i32
          %get3A_420 = arith.index_cast %get3A_419 : i32 to index
          %get3A_421 = arith.index_cast %add3A_391 : i32 to index
          %get3A_422 = arith.constant 64 : index
          %get3A_423 = tpu.vector_load %arg8[%get3A_420, %get3A_421, %get3A_422] {strides = array<i32>} : memref<3x256x128xf32, #tpu.memory_space<vmem>>, vector<1x1x16xf32>,
          %get3A_424 = vector.shape_cast %get3A_423 : vector<1x1x16xf32> to vector<16xf32>
          %add3A_425 = arith.addf %scan3A_385, %get3A_424 : vector<16xf32>
          %get3A_426 = arith.constant 1 : i32
          %get3A_427 = arith.index_cast %get3A_426 : i32 to index
          %get3A_428 = arith.index_cast %add3A_391 : i32 to index
          %get3A_429 = arith.constant 80 : index
          %get3A_430 = tpu.vector_load %arg8[%get3A_427, %get3A_428, %get3A_429] {strides = array<i32>} : memref<3x256x128xf32, #tpu.memory_space<vmem>>, vector<1x1x16xf32>,
          %get3A_431 = vector.shape_cast %get3A_430 : vector<1x1x16xf32> to vector<16xf32>
          %add3A_432 = arith.addf %scan3A_386, %get3A_431 : vector<16xf32>
          %get3A_433 = arith.constant 1 : i32
          %get3A_434 = arith.index_cast %get3A_433 : i32 to index
          %get3A_435 = arith.index_cast %add3A_391 : i32 to index
          %get3A_436 = arith.constant 96 : index
          %get3A_437 = tpu.vector_load %arg8[%get3A_434, %get3A_435, %get3A_436] {strides = array<i32>} : memref<3x256x128xf32, #tpu.memory_space<vmem>>, vector<1x1x16xf32>,
          %get3A_438 = vector.shape_cast %get3A_437 : vector<1x1x16xf32> to vector<16xf32>
          %add3A_439 = arith.addf %scan3A_387, %get3A_438 : vector<16xf32>
          %get3A_440 = arith.constant 1 : i32
          %get3A_441 = arith.index_cast %get3A_440 : i32 to index
          %get3A_442 = arith.index_cast %add3A_391 : i32 to index
          %get3A_443 = arith.constant 112 : index
          %get3A_444 = tpu.vector_load %arg8[%get3A_441, %get3A_442, %get3A_443] {strides = array<i32>} : memref<3x256x128xf32, #tpu.memory_space<vmem>>, vector<1x1x16xf32>,
          %get3A_445 = vector.shape_cast %get3A_444 : vector<1x1x16xf32> to vector<16xf32>
          %add3A_446 = arith.addf %scan3A_388, %get3A_445 : vector<16xf32>
          scf.yield %add3A_397, %add3A_404, %add3A_411, %add3A_418, %add3A_425, %add3A_432, %add3A_439, %add3A_446 : vector<16xf32>, vector<16xf32>, vector<16xf32>, vector<16xf32>, vector<16xf32>, vector<16xf32>, vector<16xf32>, vector<16xf32>
        }
        %scan3A_324 = arith.constant 29 : i32
        %swap3A = arith.constant 1 : i32
        %swap3A_325 = arith.index_cast %swap3A : i32 to index
        %swap3A_326 = arith.index_cast %scan3A_303 : i32 to index
        %swap3A_327 = arith.constant 0 : index
        %swap3A_328 = tpu.vector_load %arg9[%swap3A_325, %swap3A_326, %swap3A_327] {strides = array<i32>} : memref<3x8x128xf32, #tpu.memory_space<vmem>>, vector<1x1x16xf32>,
        %swap3A_329 = vector.shape_cast %swap3A_328 : vector<1x1x16xf32> to vector<16xf32>
        %swap3A_330 = vector.shape_cast %scan3A_323#0 : vector<16xf32> to vector<1x1x16xf32>
        tpu.vector_store %arg9[%swap3A_325, %swap3A_326, %swap3A_327], %swap3A_330 {strides = array<i32>} : memref<3x8x128xf32, #tpu.memory_space<vmem>>, vector<1x1x16xf32>,
        %swap3A_331 = arith.constant 1 : i32
        %swap3A_332 = arith.index_cast %swap3A_331 : i32 to index
        %swap3A_333 = arith.index_cast %scan3A_303 : i32 to index
        %swap3A_334 = arith.constant 16 : index
        %swap3A_335 = tpu.vector_load %arg9[%swap3A_332, %swap3A_333, %swap3A_334] {strides = array<i32>} : memref<3x8x128xf32, #tpu.memory_space<vmem>>, vector<1x1x16xf32>,
        %swap3A_336 = vector.shape_cast %swap3A_335 : vector<1x1x16xf32> to vector<16xf32>
        %swap3A_337 = vector.shape_cast %scan3A_323#1 : vector<16xf32> to vector<1x1x16xf32>
        tpu.vector_store %arg9[%swap3A_332, %swap3A_333, %swap3A_334], %swap3A_337 {strides = array<i32>} : memref<3x8x128xf32, #tpu.memory_space<vmem>>, vector<1x1x16xf32>,
        %swap3A_338 = arith.constant 1 : i32
        %swap3A_339 = arith.index_cast %swap3A_338 : i32 to index
        %swap3A_340 = arith.index_cast %scan3A_303 : i32 to index
        %swap3A_341 = arith.constant 32 : index
        %swap3A_342 = tpu.vector_load %arg9[%swap3A_339, %swap3A_340, %swap3A_341] {strides = array<i32>} : memref<3x8x128xf32, #tpu.memory_space<vmem>>, vector<1x1x16xf32>,
        %swap3A_343 = vector.shape_cast %swap3A_342 : vector<1x1x16xf32> to vector<16xf32>
        %swap3A_344 = vector.shape_cast %scan3A_323#2 : vector<16xf32> to vector<1x1x16xf32>
        tpu.vector_store %arg9[%swap3A_339, %swap3A_340, %swap3A_341], %swap3A_344 {strides = array<i32>} : memref<3x8x128xf32, #tpu.memory_space<vmem>>, vector<1x1x16xf32>,
        %swap3A_345 = arith.constant 1 : i32
        %swap3A_346 = arith.index_cast %swap3A_345 : i32 to index
        %swap3A_347 = arith.index_cast %scan3A_303 : i32 to index
        %swap3A_348 = arith.constant 48 : index
        %swap3A_349 = tpu.vector_load %arg9[%swap3A_346, %swap3A_347, %swap3A_348] {strides = array<i32>} : memref<3x8x128xf32, #tpu.memory_space<vmem>>, vector<1x1x16xf32>,
        %swap3A_350 = vector.shape_cast %swap3A_349 : vector<1x1x16xf32> to vector<16xf32>
        %swap3A_351 = vector.shape_cast %scan3A_323#3 : vector<16xf32> to vector<1x1x16xf32>
        tpu.vector_store %arg9[%swap3A_346, %swap3A_347, %swap3A_348], %swap3A_351 {strides = array<i32>} : memref<3x8x128xf32, #tpu.memory_space<vmem>>, vector<1x1x16xf32>,
        %swap3A_352 = arith.constant 1 : i32
        %swap3A_353 = arith.index_cast %swap3A_352 : i32 to index
        %swap3A_354 = arith.index_cast %scan3A_303 : i32 to index
        %swap3A_355 = arith.constant 64 : index
        %swap3A_356 = tpu.vector_load %arg9[%swap3A_353, %swap3A_354, %swap3A_355] {strides = array<i32>} : memref<3x8x128xf32, #tpu.memory_space<vmem>>, vector<1x1x16xf32>,
        %swap3A_357 = vector.shape_cast %swap3A_356 : vector<1x1x16xf32> to vector<16xf32>
        %swap3A_358 = vector.shape_cast %scan3A_323#4 : vector<16xf32> to vector<1x1x16xf32>
        tpu.vector_store %arg9[%swap3A_353, %swap3A_354, %swap3A_355], %swap3A_358 {strides = array<i32>} : memref<3x8x128xf32, #tpu.memory_space<vmem>>, vector<1x1x16xf32>,
        %swap3A_359 = arith.constant 1 : i32
        %swap3A_360 = arith.index_cast %swap3A_359 : i32 to index
        %swap3A_361 = arith.index_cast %scan3A_303 : i32 to index
        %swap3A_362 = arith.constant 80 : index
        %swap3A_363 = tpu.vector_load %arg9[%swap3A_360, %swap3A_361, %swap3A_362] {strides = array<i32>} : memref<3x8x128xf32, #tpu.memory_space<vmem>>, vector<1x1x16xf32>,
        %swap3A_364 = vector.shape_cast %swap3A_363 : vector<1x1x16xf32> to vector<16xf32>
        %swap3A_365 = vector.shape_cast %scan3A_323#5 : vector<16xf32> to vector<1x1x16xf32>
        tpu.vector_store %arg9[%swap3A_360, %swap3A_361, %swap3A_362], %swap3A_365 {strides = array<i32>} : memref<3x8x128xf32, #tpu.memory_space<vmem>>, vector<1x1x16xf32>,
        %swap3A_366 = arith.constant 1 : i32
        %swap3A_367 = arith.index_cast %swap3A_366 : i32 to index
        %swap3A_368 = arith.index_cast %scan3A_303 : i32 to index
        %swap3A_369 = arith.constant 96 : index
        %swap3A_370 = tpu.vector_load %arg9[%swap3A_367, %swap3A_368, %swap3A_369] {strides = array<i32>} : memref<3x8x128xf32, #tpu.memory_space<vmem>>, vector<1x1x16xf32>,
        %swap3A_371 = vector.shape_cast %swap3A_370 : vector<1x1x16xf32> to vector<16xf32>
        %swap3A_372 = vector.shape_cast %scan3A_323#6 : vector<16xf32> to vector<1x1x16xf32>
        tpu.vector_store %arg9[%swap3A_367, %swap3A_368, %swap3A_369], %swap3A_372 {strides = array<i32>} : memref<3x8x128xf32, #tpu.memory_space<vmem>>, vector<1x1x16xf32>,
        %swap3A_373 = arith.constant 1 : i32
        %swap3A_374 = arith.index_cast %swap3A_373 : i32 to index
        %swap3A_375 = arith.index_cast %scan3A_303 : i32 to index
        %swap3A_376 = arith.constant 112 : index
        %swap3A_377 = tpu.vector_load %arg9[%swap3A_374, %swap3A_375, %swap3A_376] {strides = array<i32>} : memref<3x8x128xf32, #tpu.memory_space<vmem>>, vector<1x1x16xf32>,
        %swap3A_378 = vector.shape_cast %swap3A_377 : vector<1x1x16xf32> to vector<16xf32>
        %swap3A_379 = vector.shape_cast %scan3A_323#7 : vector<16xf32> to vector<1x1x16xf32>
        tpu.vector_store %arg9[%swap3A_374, %swap3A_375, %swap3A_376], %swap3A_379 {strides = array<i32>} : memref<3x8x128xf32, #tpu.memory_space<vmem>>, vector<1x1x16xf32>,
      }
      %scan3A_228 = arith.constant 8 : i32
      %mul3A_229 = arith.constant 8 : i32
      %mul3A_230 = arith.muli %add3A_202, %mul3A_229 : i32
      %add3A_231 = arith.addi %mul3A_2, %mul3A_230 : i32
      %dma_start3A_232 = arith.constant 1 : i32
      %dma_start3A_233 = arith.constant 0 : i32
      %dma_start3A_234 = arith.constant 0 : i32
      %dma_start3A_235 = tpu.memref_slice %arg9[%dma_start3A_232, %dma_start3A_233, %dma_start3A_234] : memref<3x8x128xf32, #tpu.memory_space<vmem>> -> memref<1x8x128xf32, #tpu.memory_space<vmem>>
      %dma_start3A_236 = tpu.memref_squeeze %dma_start3A_235 : memref<1x8x128xf32, #tpu.memory_space<vmem>> -> memref<8x128xf32, #tpu.memory_space<vmem>>
      %dma_start3A_237 = arith.constant 0 : i32
      %dma_start3A_238 = tpu.memref_slice %arg4[%add3A_231, %dma_start3A_237] : memref<16384x128xf32, #tpu.memory_space<hbm>> -> memref<8x128xf32, #tpu.memory_space<hbm>>
      %dma_start3A_239 = arith.constant 0 : i32
      %dma_start3A_240 = tpu.memref_slice %arg4[%add3A_231, %dma_start3A_239] : memref<16384x128xf32, #tpu.memory_space<hbm>> -> memref<8x128xf32, #tpu.memory_space<hbm>>
      %dma_start3A_241 = arith.constant 0 : i32
      %dma_start3A_242 = arith.constant 0 : i32
      %dma_start3A_243 = tpu.memref_slice %arg9[%dma_start3A_232, %dma_start3A_241, %dma_start3A_242] : memref<3x8x128xf32, #tpu.memory_space<vmem>> -> memref<1x8x128xf32, #tpu.memory_space<vmem>>
      %dma_start3A_244 = tpu.memref_squeeze %dma_start3A_243 : memref<1x8x128xf32, #tpu.memory_space<vmem>> -> memref<8x128xf32, #tpu.memory_space<vmem>>
      tpu.enqueue_dma source(%dma_start3A_244 : memref<8x128xf32, #tpu.memory_space<vmem>>) target(%dma_start3A_240 : memref<8x128xf32, #tpu.memory_space<hbm>>) target_semaphore(%arg17 : memref<!tpu.dma_semaphore, #tpu.memory_space<semaphore_mem>>)
      %add3A_245 = arith.constant 3 : i32
      %add3A_246 = arith.addi %add3A_202, %add3A_245 : i32
      %lt3A_247 = arith.constant 64 : i32
      %lt3A_248 = arith.cmpi slt, %add3A_246, %lt3A_247 : i32
      %convert_element_type3A_249 = arith.extui %lt3A_248 : i1 to i32
      %cond3A_250 = arith.constant 0 : i32
      %cond3A_251 = arith.cmpi ne, %convert_element_type3A_249, %cond3A_250 : i32
      scf.if %cond3A_251 {
        %dma_wait3A_303 = tpu.memref_slice %arg2[%mul3A_4] : memref<524288xi32, #tpu.memory_space<hbm>> -> memref<256xi32, #tpu.memory_space<hbm>>
        %dma_wait3A_304 = tpu.memref_slice %arg2[%mul3A_4] : memref<524288xi32, #tpu.memory_space<hbm>> -> memref<256xi32, #tpu.memory_space<hbm>>
        tpu.wait_dma2 semaphore(%arg14 : memref<!tpu.dma_semaphore, #tpu.memory_space<semaphore_mem>>) src(%dma_wait3A_304 : memref<256xi32, #tpu.memory_space<hbm>>) dst(%arg6 : memref<256xi32, #tpu.memory_space<vmem>>)
        %dma_start3A_305 = arith.constant 1 : i32
        %dma_start3A_306 = arith.constant 0 : i32
        %dma_start3A_307 = arith.constant 0 : i32
        %dma_start3A_308 = tpu.memref_slice %arg8[%dma_start3A_305, %dma_start3A_306, %dma_start3A_307] : memref<3x256x128xf32, #tpu.memory_space<vmem>> -> memref<1x256x128xf32, #tpu.memory_space<vmem>>
        %dma_start3A_309 = tpu.memref_squeeze %dma_start3A_308 : memref<1x256x128xf32, #tpu.memory_space<vmem>> -> memref<256x128xf32, #tpu.memory_space<vmem>>
        %dma_start3A_310 = arith.constant 0 : i32
        %dma_start3A_311 = arith.constant 0 : i32
        %dma_start3A_312 = tpu.memref_slice %arg3[%dma_start3A_310, %dma_start3A_311] : memref<14848x128xf32, #tpu.memory_space<hbm>> -> memref<14848x128xf32, #tpu.memory_space<hbm>>
        tpu.enqueue_indirect_dma source(%dma_start3A_312 : memref<14848x128xf32, #tpu.memory_space<hbm>>) target(%dma_start3A_309 : memref<256x128xf32, #tpu.memory_space<vmem>>) offsets(%arg6 : memref<256xi32, #tpu.memory_space<vmem>>) semaphore(%arg11 : memref<!tpu.dma_semaphore, #tpu.memory_space<semaphore_mem>>)
      } else {
      }
      %add3A_252 = arith.constant 2 : i32
      %add3A_253 = arith.addi %add3A_149, %add3A_252 : i32
      %dma_wait3A_254 = arith.constant 2 : i32
      %dma_wait3A_255 = arith.constant 0 : i32
      %dma_wait3A_256 = arith.constant 0 : i32
      %dma_wait3A_257 = tpu.memref_slice %arg8[%dma_wait3A_254, %dma_wait3A_255, %dma_wait3A_256] : memref<3x256x128xf32, #tpu.memory_space<vmem>> -> memref<1x256x128xf32, #tpu.memory_space<vmem>>
      %dma_wait3A_258 = tpu.memref_squeeze %dma_wait3A_257 : memref<1x256x128xf32, #tpu.memory_space<vmem>> -> memref<256x128xf32, #tpu.memory_space<vmem>>
      %dma_wait3A_259 = arith.constant 0 : i32
      %dma_wait3A_260 = arith.constant 0 : i32
      %dma_wait3A_261 = tpu.memref_slice %arg3[%dma_wait3A_259, %dma_wait3A_260] : memref<14848x128xf32, #tpu.memory_space<hbm>> -> memref<14848x128xf32, #tpu.memory_space<hbm>>
      tpu.wait_indirect_dma semaphore(%arg12 : memref<!tpu.dma_semaphore, #tpu.memory_space<semaphore_mem>>) src(%dma_wait3A_261 : memref<14848x128xf32, #tpu.memory_space<hbm>>) dst(%dma_wait3A_258 : memref<256x128xf32, #tpu.memory_space<vmem>>)
      %add3A_262 = arith.constant 3 : i32
      %add3A_263 = arith.addi %add3A_253, %add3A_262 : i32
      %lt3A_264 = arith.constant 64 : i32
      %lt3A_265 = arith.cmpi slt, %add3A_263, %lt3A_264 : i32
      %convert_element_type3A_266 = arith.extui %lt3A_265 : i1 to i32
      %cond3A_267 = arith.constant 0 : i32
      %cond3A_268 = arith.cmpi ne, %convert_element_type3A_266, %cond3A_267 : i32
      scf.if %cond3A_268 {
        %add3A_303 = arith.constant 3 : i32
        %add3A_304 = arith.addi %add3A_253, %add3A_303 : i32
        %mul3A_305 = arith.constant 256 : i32
        %mul3A_306 = arith.muli %add3A_304, %mul3A_305 : i32
        %add3A_307 = arith.addi %mul3A_4, %mul3A_306 : i32
        %dma_start3A_308 = tpu.memref_slice %arg2[%add3A_307] : memref<524288xi32, #tpu.memory_space<hbm>> -> memref<256xi32, #tpu.memory_space<hbm>>
        %dma_start3A_309 = tpu.memref_slice %arg2[%add3A_307] : memref<524288xi32, #tpu.memory_space<hbm>> -> memref<256xi32, #tpu.memory_space<hbm>>
        tpu.enqueue_dma source(%dma_start3A_309 : memref<256xi32, #tpu.memory_space<hbm>>) target(%arg7 : memref<256xi32, #tpu.memory_space<vmem>>) target_semaphore(%arg15 : memref<!tpu.dma_semaphore, #tpu.memory_space<semaphore_mem>>)
      } else {
      }
      %ge3A_269 = arith.constant 3 : i32
      %ge3A_270 = arith.cmpi sge, %add3A_253, %ge3A_269 : i32
      %convert_element_type3A_271 = arith.extui %ge3A_270 : i1 to i32
      %cond3A_272 = arith.constant 0 : i32
      %cond3A_273 = arith.cmpi ne, %convert_element_type3A_271, %cond3A_272 : i32
      scf.if %cond3A_273 {
        %sub3A = arith.constant 3 : i32
        %sub3A_303 = arith.subi %add3A_253, %sub3A : i32
        %mul3A_304 = arith.constant 8 : i32
        %mul3A_305 = arith.muli %sub3A_303, %mul3A_304 : i32
        %add3A_306 = arith.addi %mul3A_2, %mul3A_305 : i32
        %dma_wait3A_307 = arith.constant 2 : i32
        %dma_wait3A_308 = arith.constant 0 : i32
        %dma_wait3A_309 = arith.constant 0 : i32
        %dma_wait3A_310 = tpu.memref_slice %arg9[%dma_wait3A_307, %dma_wait3A_308, %dma_wait3A_309] : memref<3x8x128xf32, #tpu.memory_space<vmem>> -> memref<1x8x128xf32, #tpu.memory_space<vmem>>
        %dma_wait3A_311 = tpu.memref_squeeze %dma_wait3A_310 : memref<1x8x128xf32, #tpu.memory_space<vmem>> -> memref<8x128xf32, #tpu.memory_space<vmem>>
        %dma_wait3A_312 = arith.constant 0 : i32
        %dma_wait3A_313 = tpu.memref_slice %arg4[%add3A_306, %dma_wait3A_312] : memref<16384x128xf32, #tpu.memory_space<hbm>> -> memref<8x128xf32, #tpu.memory_space<hbm>>
        %dma_wait3A_314 = arith.constant 0 : i32
        %dma_wait3A_315 = tpu.memref_slice %arg4[%add3A_306, %dma_wait3A_314] : memref<16384x128xf32, #tpu.memory_space<hbm>> -> memref<8x128xf32, #tpu.memory_space<hbm>>
        %dma_wait3A_316 = arith.constant 0 : i32
        %dma_wait3A_317 = arith.constant 0 : i32
        %dma_wait3A_318 = tpu.memref_slice %arg9[%dma_wait3A_307, %dma_wait3A_316, %dma_wait3A_317] : memref<3x8x128xf32, #tpu.memory_space<vmem>> -> memref<1x8x128xf32, #tpu.memory_space<vmem>>
        %dma_wait3A_319 = tpu.memref_squeeze %dma_wait3A_318 : memref<1x8x128xf32, #tpu.memory_space<vmem>> -> memref<8x128xf32, #tpu.memory_space<vmem>>
        tpu.wait_dma2 semaphore(%arg18 : memref<!tpu.dma_semaphore, #tpu.memory_space<semaphore_mem>>) src(%dma_wait3A_319 : memref<8x128xf32, #tpu.memory_space<vmem>>) dst(%dma_wait3A_315 : memref<8x128xf32, #tpu.memory_space<hbm>>)
      } else {
      }
      %scan3A_274 = arith.constant 0 : i32
      %scan3A_275 = arith.constant 0 : i32
      %scan3A_276 = arith.constant 8 : i32
      %scan3A_277 = arith.addi %scan3A_275, %scan3A_276 : i32
      %scan3A_278 = arith.constant 1 : i32
      scf.for %scan3A_303 = %scan3A_275 to %scan3A_277 step %scan3A_278  : i32 {
        %broadcast_in_dim3A = arith.constant 0.000000e+00 : f32
        %broadcast_in_dim3A_304 = vector.broadcast %broadcast_in_dim3A : f32 to vector<16xf32>
        %broadcast_in_dim3A_305 = arith.constant 0.000000e+00 : f32
        %broadcast_in_dim3A_306 = vector.broadcast %broadcast_in_dim3A_305 : f32 to vector<16xf32>
        %broadcast_in_dim3A_307 = arith.constant 0.000000e+00 : f32
        %broadcast_in_dim3A_308 = vector.broadcast %broadcast_in_dim3A_307 : f32 to vector<16xf32>
        %broadcast_in_dim3A_309 = arith.constant 0.000000e+00 : f32
        %broadcast_in_dim3A_310 = vector.broadcast %broadcast_in_dim3A_309 : f32 to vector<16xf32>
        %broadcast_in_dim3A_311 = arith.constant 0.000000e+00 : f32
        %broadcast_in_dim3A_312 = vector.broadcast %broadcast_in_dim3A_311 : f32 to vector<16xf32>
        %broadcast_in_dim3A_313 = arith.constant 0.000000e+00 : f32
        %broadcast_in_dim3A_314 = vector.broadcast %broadcast_in_dim3A_313 : f32 to vector<16xf32>
        %broadcast_in_dim3A_315 = arith.constant 0.000000e+00 : f32
        %broadcast_in_dim3A_316 = vector.broadcast %broadcast_in_dim3A_315 : f32 to vector<16xf32>
        %broadcast_in_dim3A_317 = arith.constant 0.000000e+00 : f32
        %broadcast_in_dim3A_318 = vector.broadcast %broadcast_in_dim3A_317 : f32 to vector<16xf32>
        %scan3A_319 = arith.constant 0 : i32
        %scan3A_320 = arith.constant 29 : i32
        %scan3A_321 = arith.addi %scan3A_319, %scan3A_320 : i32
        %scan3A_322 = arith.constant 1 : i32
        %scan3A_323:8 = scf.for %scan3A_380 = %scan3A_319 to %scan3A_321 step %scan3A_322 iter_args(%scan3A_381 = %broadcast_in_dim3A_304, %scan3A_382 = %broadcast_in_dim3A_306, %scan3A_383 = %broadcast_in_dim3A_308, %scan3A_384 = %broadcast_in_dim3A_310, %scan3A_385 = %broadcast_in_dim3A_312, %scan3A_386 = %broadcast_in_dim3A_314, %scan3A_387 = %broadcast_in_dim3A_316, %scan3A_388 = %broadcast_in_dim3A_318) -> (vector<16xf32>, vector<16xf32>, vector<16xf32>, vector<16xf32>, vector<16xf32>, vector<16xf32>, vector<16xf32>, vector<16xf32>)  : i32 {
          %mul3A_389 = arith.constant 32 : i32
          %mul3A_390 = arith.muli %scan3A_303, %mul3A_389 : i32
          %add3A_391 = arith.addi %mul3A_390, %scan3A_380 : i32
          %get3A = arith.constant 2 : i32
          %get3A_392 = arith.index_cast %get3A : i32 to index
          %get3A_393 = arith.index_cast %add3A_391 : i32 to index
          %get3A_394 = arith.constant 0 : index
          %get3A_395 = tpu.vector_load %arg8[%get3A_392, %get3A_393, %get3A_394] {strides = array<i32>} : memref<3x256x128xf32, #tpu.memory_space<vmem>>, vector<1x1x16xf32>,
          %get3A_396 = vector.shape_cast %get3A_395 : vector<1x1x16xf32> to vector<16xf32>
          %add3A_397 = arith.addf %scan3A_381, %get3A_396 : vector<16xf32>
          %get3A_398 = arith.constant 2 : i32
          %get3A_399 = arith.index_cast %get3A_398 : i32 to index
          %get3A_400 = arith.index_cast %add3A_391 : i32 to index
          %get3A_401 = arith.constant 16 : index
          %get3A_402 = tpu.vector_load %arg8[%get3A_399, %get3A_400, %get3A_401] {strides = array<i32>} : memref<3x256x128xf32, #tpu.memory_space<vmem>>, vector<1x1x16xf32>,
          %get3A_403 = vector.shape_cast %get3A_402 : vector<1x1x16xf32> to vector<16xf32>
          %add3A_404 = arith.addf %scan3A_382, %get3A_403 : vector<16xf32>
          %get3A_405 = arith.constant 2 : i32
          %get3A_406 = arith.index_cast %get3A_405 : i32 to index
          %get3A_407 = arith.index_cast %add3A_391 : i32 to index
          %get3A_408 = arith.constant 32 : index
          %get3A_409 = tpu.vector_load %arg8[%get3A_406, %get3A_407, %get3A_408] {strides = array<i32>} : memref<3x256x128xf32, #tpu.memory_space<vmem>>, vector<1x1x16xf32>,
          %get3A_410 = vector.shape_cast %get3A_409 : vector<1x1x16xf32> to vector<16xf32>
          %add3A_411 = arith.addf %scan3A_383, %get3A_410 : vector<16xf32>
          %get3A_412 = arith.constant 2 : i32
          %get3A_413 = arith.index_cast %get3A_412 : i32 to index
          %get3A_414 = arith.index_cast %add3A_391 : i32 to index
          %get3A_415 = arith.constant 48 : index
          %get3A_416 = tpu.vector_load %arg8[%get3A_413, %get3A_414, %get3A_415] {strides = array<i32>} : memref<3x256x128xf32, #tpu.memory_space<vmem>>, vector<1x1x16xf32>,
          %get3A_417 = vector.shape_cast %get3A_416 : vector<1x1x16xf32> to vector<16xf32>
          %add3A_418 = arith.addf %scan3A_384, %get3A_417 : vector<16xf32>
          %get3A_419 = arith.constant 2 : i32
          %get3A_420 = arith.index_cast %get3A_419 : i32 to index
          %get3A_421 = arith.index_cast %add3A_391 : i32 to index
          %get3A_422 = arith.constant 64 : index
          %get3A_423 = tpu.vector_load %arg8[%get3A_420, %get3A_421, %get3A_422] {strides = array<i32>} : memref<3x256x128xf32, #tpu.memory_space<vmem>>, vector<1x1x16xf32>,
          %get3A_424 = vector.shape_cast %get3A_423 : vector<1x1x16xf32> to vector<16xf32>
          %add3A_425 = arith.addf %scan3A_385, %get3A_424 : vector<16xf32>
          %get3A_426 = arith.constant 2 : i32
          %get3A_427 = arith.index_cast %get3A_426 : i32 to index
          %get3A_428 = arith.index_cast %add3A_391 : i32 to index
          %get3A_429 = arith.constant 80 : index
          %get3A_430 = tpu.vector_load %arg8[%get3A_427, %get3A_428, %get3A_429] {strides = array<i32>} : memref<3x256x128xf32, #tpu.memory_space<vmem>>, vector<1x1x16xf32>,
          %get3A_431 = vector.shape_cast %get3A_430 : vector<1x1x16xf32> to vector<16xf32>
          %add3A_432 = arith.addf %scan3A_386, %get3A_431 : vector<16xf32>
          %get3A_433 = arith.constant 2 : i32
          %get3A_434 = arith.index_cast %get3A_433 : i32 to index
          %get3A_435 = arith.index_cast %add3A_391 : i32 to index
          %get3A_436 = arith.constant 96 : index
          %get3A_437 = tpu.vector_load %arg8[%get3A_434, %get3A_435, %get3A_436] {strides = array<i32>} : memref<3x256x128xf32, #tpu.memory_space<vmem>>, vector<1x1x16xf32>,
          %get3A_438 = vector.shape_cast %get3A_437 : vector<1x1x16xf32> to vector<16xf32>
          %add3A_439 = arith.addf %scan3A_387, %get3A_438 : vector<16xf32>
          %get3A_440 = arith.constant 2 : i32
          %get3A_441 = arith.index_cast %get3A_440 : i32 to index
          %get3A_442 = arith.index_cast %add3A_391 : i32 to index
          %get3A_443 = arith.constant 112 : index
          %get3A_444 = tpu.vector_load %arg8[%get3A_441, %get3A_442, %get3A_443] {strides = array<i32>} : memref<3x256x128xf32, #tpu.memory_space<vmem>>, vector<1x1x16xf32>,
          %get3A_445 = vector.shape_cast %get3A_444 : vector<1x1x16xf32> to vector<16xf32>
          %add3A_446 = arith.addf %scan3A_388, %get3A_445 : vector<16xf32>
          scf.yield %add3A_397, %add3A_404, %add3A_411, %add3A_418, %add3A_425, %add3A_432, %add3A_439, %add3A_446 : vector<16xf32>, vector<16xf32>, vector<16xf32>, vector<16xf32>, vector<16xf32>, vector<16xf32>, vector<16xf32>, vector<16xf32>
        }
        %scan3A_324 = arith.constant 29 : i32
        %swap3A = arith.constant 2 : i32
        %swap3A_325 = arith.index_cast %swap3A : i32 to index
        %swap3A_326 = arith.index_cast %scan3A_303 : i32 to index
        %swap3A_327 = arith.constant 0 : index
        %swap3A_328 = tpu.vector_load %arg9[%swap3A_325, %swap3A_326, %swap3A_327] {strides = array<i32>} : memref<3x8x128xf32, #tpu.memory_space<vmem>>, vector<1x1x16xf32>,
        %swap3A_329 = vector.shape_cast %swap3A_328 : vector<1x1x16xf32> to vector<16xf32>
        %swap3A_330 = vector.shape_cast %scan3A_323#0 : vector<16xf32> to vector<1x1x16xf32>
        tpu.vector_store %arg9[%swap3A_325, %swap3A_326, %swap3A_327], %swap3A_330 {strides = array<i32>} : memref<3x8x128xf32, #tpu.memory_space<vmem>>, vector<1x1x16xf32>,
        %swap3A_331 = arith.constant 2 : i32
        %swap3A_332 = arith.index_cast %swap3A_331 : i32 to index
        %swap3A_333 = arith.index_cast %scan3A_303 : i32 to index
        %swap3A_334 = arith.constant 16 : index
        %swap3A_335 = tpu.vector_load %arg9[%swap3A_332, %swap3A_333, %swap3A_334] {strides = array<i32>} : memref<3x8x128xf32, #tpu.memory_space<vmem>>, vector<1x1x16xf32>,
        %swap3A_336 = vector.shape_cast %swap3A_335 : vector<1x1x16xf32> to vector<16xf32>
        %swap3A_337 = vector.shape_cast %scan3A_323#1 : vector<16xf32> to vector<1x1x16xf32>
        tpu.vector_store %arg9[%swap3A_332, %swap3A_333, %swap3A_334], %swap3A_337 {strides = array<i32>} : memref<3x8x128xf32, #tpu.memory_space<vmem>>, vector<1x1x16xf32>,
        %swap3A_338 = arith.constant 2 : i32
        %swap3A_339 = arith.index_cast %swap3A_338 : i32 to index
        %swap3A_340 = arith.index_cast %scan3A_303 : i32 to index
        %swap3A_341 = arith.constant 32 : index
        %swap3A_342 = tpu.vector_load %arg9[%swap3A_339, %swap3A_340, %swap3A_341] {strides = array<i32>} : memref<3x8x128xf32, #tpu.memory_space<vmem>>, vector<1x1x16xf32>,
        %swap3A_343 = vector.shape_cast %swap3A_342 : vector<1x1x16xf32> to vector<16xf32>
        %swap3A_344 = vector.shape_cast %scan3A_323#2 : vector<16xf32> to vector<1x1x16xf32>
        tpu.vector_store %arg9[%swap3A_339, %swap3A_340, %swap3A_341], %swap3A_344 {strides = array<i32>} : memref<3x8x128xf32, #tpu.memory_space<vmem>>, vector<1x1x16xf32>,
        %swap3A_345 = arith.constant 2 : i32
        %swap3A_346 = arith.index_cast %swap3A_345 : i32 to index
        %swap3A_347 = arith.index_cast %scan3A_303 : i32 to index
        %swap3A_348 = arith.constant 48 : index
        %swap3A_349 = tpu.vector_load %arg9[%swap3A_346, %swap3A_347, %swap3A_348] {strides = array<i32>} : memref<3x8x128xf32, #tpu.memory_space<vmem>>, vector<1x1x16xf32>,
        %swap3A_350 = vector.shape_cast %swap3A_349 : vector<1x1x16xf32> to vector<16xf32>
        %swap3A_351 = vector.shape_cast %scan3A_323#3 : vector<16xf32> to vector<1x1x16xf32>
        tpu.vector_store %arg9[%swap3A_346, %swap3A_347, %swap3A_348], %swap3A_351 {strides = array<i32>} : memref<3x8x128xf32, #tpu.memory_space<vmem>>, vector<1x1x16xf32>,
        %swap3A_352 = arith.constant 2 : i32
        %swap3A_353 = arith.index_cast %swap3A_352 : i32 to index
        %swap3A_354 = arith.index_cast %scan3A_303 : i32 to index
        %swap3A_355 = arith.constant 64 : index
        %swap3A_356 = tpu.vector_load %arg9[%swap3A_353, %swap3A_354, %swap3A_355] {strides = array<i32>} : memref<3x8x128xf32, #tpu.memory_space<vmem>>, vector<1x1x16xf32>,
        %swap3A_357 = vector.shape_cast %swap3A_356 : vector<1x1x16xf32> to vector<16xf32>
        %swap3A_358 = vector.shape_cast %scan3A_323#4 : vector<16xf32> to vector<1x1x16xf32>
        tpu.vector_store %arg9[%swap3A_353, %swap3A_354, %swap3A_355], %swap3A_358 {strides = array<i32>} : memref<3x8x128xf32, #tpu.memory_space<vmem>>, vector<1x1x16xf32>,
        %swap3A_359 = arith.constant 2 : i32
        %swap3A_360 = arith.index_cast %swap3A_359 : i32 to index
        %swap3A_361 = arith.index_cast %scan3A_303 : i32 to index
        %swap3A_362 = arith.constant 80 : index
        %swap3A_363 = tpu.vector_load %arg9[%swap3A_360, %swap3A_361, %swap3A_362] {strides = array<i32>} : memref<3x8x128xf32, #tpu.memory_space<vmem>>, vector<1x1x16xf32>,
        %swap3A_364 = vector.shape_cast %swap3A_363 : vector<1x1x16xf32> to vector<16xf32>
        %swap3A_365 = vector.shape_cast %scan3A_323#5 : vector<16xf32> to vector<1x1x16xf32>
        tpu.vector_store %arg9[%swap3A_360, %swap3A_361, %swap3A_362], %swap3A_365 {strides = array<i32>} : memref<3x8x128xf32, #tpu.memory_space<vmem>>, vector<1x1x16xf32>,
        %swap3A_366 = arith.constant 2 : i32
        %swap3A_367 = arith.index_cast %swap3A_366 : i32 to index
        %swap3A_368 = arith.index_cast %scan3A_303 : i32 to index
        %swap3A_369 = arith.constant 96 : index
        %swap3A_370 = tpu.vector_load %arg9[%swap3A_367, %swap3A_368, %swap3A_369] {strides = array<i32>} : memref<3x8x128xf32, #tpu.memory_space<vmem>>, vector<1x1x16xf32>,
        %swap3A_371 = vector.shape_cast %swap3A_370 : vector<1x1x16xf32> to vector<16xf32>
        %swap3A_372 = vector.shape_cast %scan3A_323#6 : vector<16xf32> to vector<1x1x16xf32>
        tpu.vector_store %arg9[%swap3A_367, %swap3A_368, %swap3A_369], %swap3A_372 {strides = array<i32>} : memref<3x8x128xf32, #tpu.memory_space<vmem>>, vector<1x1x16xf32>,
        %swap3A_373 = arith.constant 2 : i32
        %swap3A_374 = arith.index_cast %swap3A_373 : i32 to index
        %swap3A_375 = arith.index_cast %scan3A_303 : i32 to index
        %swap3A_376 = arith.constant 112 : index
        %swap3A_377 = tpu.vector_load %arg9[%swap3A_374, %swap3A_375, %swap3A_376] {strides = array<i32>} : memref<3x8x128xf32, #tpu.memory_space<vmem>>, vector<1x1x16xf32>,
        %swap3A_378 = vector.shape_cast %swap3A_377 : vector<1x1x16xf32> to vector<16xf32>
        %swap3A_379 = vector.shape_cast %scan3A_323#7 : vector<16xf32> to vector<1x1x16xf32>
        tpu.vector_store %arg9[%swap3A_374, %swap3A_375, %swap3A_376], %swap3A_379 {strides = array<i32>} : memref<3x8x128xf32, #tpu.memory_space<vmem>>, vector<1x1x16xf32>,
      }
      %scan3A_279 = arith.constant 8 : i32
      %mul3A_280 = arith.constant 8 : i32
      %mul3A_281 = arith.muli %add3A_253, %mul3A_280 : i32
      %add3A_282 = arith.addi %mul3A_2, %mul3A_281 : i32
      %dma_start3A_283 = arith.constant 2 : i32
      %dma_start3A_284 = arith.constant 0 : i32
      %dma_start3A_285 = arith.constant 0 : i32
      %dma_start3A_286 = tpu.memref_slice %arg9[%dma_start3A_283, %dma_start3A_284, %dma_start3A_285] : memref<3x8x128xf32, #tpu.memory_space<vmem>> -> memref<1x8x128xf32, #tpu.memory_space<vmem>>
      %dma_start3A_287 = tpu.memref_squeeze %dma_start3A_286 : memref<1x8x128xf32, #tpu.memory_space<vmem>> -> memref<8x128xf32, #tpu.memory_space<vmem>>
      %dma_start3A_288 = arith.constant 0 : i32
      %dma_start3A_289 = tpu.memref_slice %arg4[%add3A_282, %dma_start3A_288] : memref<16384x128xf32, #tpu.memory_space<hbm>> -> memref<8x128xf32, #tpu.memory_space<hbm>>
      %dma_start3A_290 = arith.constant 0 : i32
      %dma_start3A_291 = tpu.memref_slice %arg4[%add3A_282, %dma_start3A_290] : memref<16384x128xf32, #tpu.memory_space<hbm>> -> memref<8x128xf32, #tpu.memory_space<hbm>>
      %dma_start3A_292 = arith.constant 0 : i32
      %dma_start3A_293 = arith.constant 0 : i32
      %dma_start3A_294 = tpu.memref_slice %arg9[%dma_start3A_283, %dma_start3A_292, %dma_start3A_293] : memref<3x8x128xf32, #tpu.memory_space<vmem>> -> memref<1x8x128xf32, #tpu.memory_space<vmem>>
      %dma_start3A_295 = tpu.memref_squeeze %dma_start3A_294 : memref<1x8x128xf32, #tpu.memory_space<vmem>> -> memref<8x128xf32, #tpu.memory_space<vmem>>
      tpu.enqueue_dma source(%dma_start3A_295 : memref<8x128xf32, #tpu.memory_space<vmem>>) target(%dma_start3A_291 : memref<8x128xf32, #tpu.memory_space<hbm>>) target_semaphore(%arg18 : memref<!tpu.dma_semaphore, #tpu.memory_space<semaphore_mem>>)
      %add3A_296 = arith.constant 3 : i32
      %add3A_297 = arith.addi %add3A_253, %add3A_296 : i32
      %lt3A_298 = arith.constant 64 : i32
      %lt3A_299 = arith.cmpi slt, %add3A_297, %lt3A_298 : i32
      %convert_element_type3A_300 = arith.extui %lt3A_299 : i1 to i32
      %cond3A_301 = arith.constant 0 : i32
      %cond3A_302 = arith.cmpi ne, %convert_element_type3A_300, %cond3A_301 : i32
      scf.if %cond3A_302 {
        %dma_wait3A_303 = tpu.memref_slice %arg2[%mul3A_4] : memref<524288xi32, #tpu.memory_space<hbm>> -> memref<256xi32, #tpu.memory_space<hbm>>
        %dma_wait3A_304 = tpu.memref_slice %arg2[%mul3A_4] : memref<524288xi32, #tpu.memory_space<hbm>> -> memref<256xi32, #tpu.memory_space<hbm>>
        tpu.wait_dma2 semaphore(%arg15 : memref<!tpu.dma_semaphore, #tpu.memory_space<semaphore_mem>>) src(%dma_wait3A_304 : memref<256xi32, #tpu.memory_space<hbm>>) dst(%arg7 : memref<256xi32, #tpu.memory_space<vmem>>)
        %dma_start3A_305 = arith.constant 2 : i32
        %dma_start3A_306 = arith.constant 0 : i32
        %dma_start3A_307 = arith.constant 0 : i32
        %dma_start3A_308 = tpu.memref_slice %arg8[%dma_start3A_305, %dma_start3A_306, %dma_start3A_307] : memref<3x256x128xf32, #tpu.memory_space<vmem>> -> memref<1x256x128xf32, #tpu.memory_space<vmem>>
        %dma_start3A_309 = tpu.memref_squeeze %dma_start3A_308 : memref<1x256x128xf32, #tpu.memory_space<vmem>> -> memref<256x128xf32, #tpu.memory_space<vmem>>
        %dma_start3A_310 = arith.constant 0 : i32
        %dma_start3A_311 = arith.constant 0 : i32
        %dma_start3A_312 = tpu.memref_slice %arg3[%dma_start3A_310, %dma_start3A_311] : memref<14848x128xf32, #tpu.memory_space<hbm>> -> memref<14848x128xf32, #tpu.memory_space<hbm>>
        tpu.enqueue_indirect_dma source(%dma_start3A_312 : memref<14848x128xf32, #tpu.memory_space<hbm>>) target(%dma_start3A_309 : memref<256x128xf32, #tpu.memory_space<vmem>>) offsets(%arg7 : memref<256xi32, #tpu.memory_space<vmem>>) semaphore(%arg12 : memref<!tpu.dma_semaphore, #tpu.memory_space<semaphore_mem>>)
      } else {
      }
    }
    %scan3A_48 = arith.constant 21 : i32
    %dma_wait3A_49 = arith.constant 0 : i32
    %dma_wait3A_50 = arith.constant 0 : i32
    %dma_wait3A_51 = arith.constant 0 : i32
    %dma_wait3A_52 = tpu.memref_slice %arg8[%dma_wait3A_49, %dma_wait3A_50, %dma_wait3A_51] : memref<3x256x128xf32, #tpu.memory_space<vmem>> -> memref<1x256x128xf32, #tpu.memory_space<vmem>>
    %dma_wait3A_53 = tpu.memref_squeeze %dma_wait3A_52 : memref<1x256x128xf32, #tpu.memory_space<vmem>> -> memref<256x128xf32, #tpu.memory_space<vmem>>
    %dma_wait3A_54 = arith.constant 0 : i32
    %dma_wait3A_55 = arith.constant 0 : i32
    %dma_wait3A_56 = tpu.memref_slice %arg3[%dma_wait3A_54, %dma_wait3A_55] : memref<14848x128xf32, #tpu.memory_space<hbm>> -> memref<14848x128xf32, #tpu.memory_space<hbm>>
    tpu.wait_indirect_dma semaphore(%arg10 : memref<!tpu.dma_semaphore, #tpu.memory_space<semaphore_mem>>) src(%dma_wait3A_56 : memref<14848x128xf32, #tpu.memory_space<hbm>>) dst(%dma_wait3A_53 : memref<256x128xf32, #tpu.memory_space<vmem>>)
    %add3A_57 = arith.constant 63 : i32
    %add3A_58 = arith.constant 3 : i32
    %add3A_59 = arith.addi %add3A_57, %add3A_58 : i32
    %lt3A = arith.constant 64 : i32
    %lt3A_60 = arith.cmpi slt, %add3A_59, %lt3A : i32
    %convert_element_type3A = arith.extui %lt3A_60 : i1 to i32
    %cond3A = arith.constant 63 : i32
    %cond3A_61 = arith.constant 0 : i32
    %cond3A_62 = arith.cmpi ne, %convert_element_type3A, %cond3A_61 : i32
    scf.if %cond3A_62 {
      %add3A_145 = arith.constant 3 : i32
      %add3A_146 = arith.addi %cond3A, %add3A_145 : i32
      %mul3A_147 = arith.constant 256 : i32
      %mul3A_148 = arith.muli %add3A_146, %mul3A_147 : i32
      %add3A_149 = arith.addi %mul3A_4, %mul3A_148 : i32
      %dma_start3A_150 = tpu.memref_slice %arg2[%add3A_149] : memref<524288xi32, #tpu.memory_space<hbm>> -> memref<256xi32, #tpu.memory_space<hbm>>
      %dma_start3A_151 = tpu.memref_slice %arg2[%add3A_149] : memref<524288xi32, #tpu.memory_space<hbm>> -> memref<256xi32, #tpu.memory_space<hbm>>
      tpu.enqueue_dma source(%dma_start3A_151 : memref<256xi32, #tpu.memory_space<hbm>>) target(%arg5 : memref<256xi32, #tpu.memory_space<vmem>>) target_semaphore(%arg13 : memref<!tpu.dma_semaphore, #tpu.memory_space<semaphore_mem>>)
    } else {
    }
    %ge3A = arith.constant 63 : i32
    %ge3A_63 = arith.constant 3 : i32
    %ge3A_64 = arith.cmpi sge, %ge3A, %ge3A_63 : i32
    %convert_element_type3A_65 = arith.extui %ge3A_64 : i1 to i32
    %cond3A_66 = arith.constant 63 : i32
    %cond3A_67 = arith.constant 0 : i32
    %cond3A_68 = arith.cmpi ne, %convert_element_type3A_65, %cond3A_67 : i32
    scf.if %cond3A_68 {
      %sub3A = arith.constant 3 : i32
      %sub3A_145 = arith.subi %cond3A_66, %sub3A : i32
      %mul3A_146 = arith.constant 8 : i32
      %mul3A_147 = arith.muli %sub3A_145, %mul3A_146 : i32
      %add3A_148 = arith.addi %mul3A_2, %mul3A_147 : i32
      %dma_wait3A_149 = arith.constant 0 : i32
      %dma_wait3A_150 = arith.constant 0 : i32
      %dma_wait3A_151 = arith.constant 0 : i32
      %dma_wait3A_152 = tpu.memref_slice %arg9[%dma_wait3A_149, %dma_wait3A_150, %dma_wait3A_151] : memref<3x8x128xf32, #tpu.memory_space<vmem>> -> memref<1x8x128xf32, #tpu.memory_space<vmem>>
      %dma_wait3A_153 = tpu.memref_squeeze %dma_wait3A_152 : memref<1x8x128xf32, #tpu.memory_space<vmem>> -> memref<8x128xf32, #tpu.memory_space<vmem>>
      %dma_wait3A_154 = arith.constant 0 : i32
      %dma_wait3A_155 = tpu.memref_slice %arg4[%add3A_148, %dma_wait3A_154] : memref<16384x128xf32, #tpu.memory_space<hbm>> -> memref<8x128xf32, #tpu.memory_space<hbm>>
      %dma_wait3A_156 = arith.constant 0 : i32
      %dma_wait3A_157 = tpu.memref_slice %arg4[%add3A_148, %dma_wait3A_156] : memref<16384x128xf32, #tpu.memory_space<hbm>> -> memref<8x128xf32, #tpu.memory_space<hbm>>
      %dma_wait3A_158 = arith.constant 0 : i32
      %dma_wait3A_159 = arith.constant 0 : i32
      %dma_wait3A_160 = tpu.memref_slice %arg9[%dma_wait3A_149, %dma_wait3A_158, %dma_wait3A_159] : memref<3x8x128xf32, #tpu.memory_space<vmem>> -> memref<1x8x128xf32, #tpu.memory_space<vmem>>
      %dma_wait3A_161 = tpu.memref_squeeze %dma_wait3A_160 : memref<1x8x128xf32, #tpu.memory_space<vmem>> -> memref<8x128xf32, #tpu.memory_space<vmem>>
      tpu.wait_dma2 semaphore(%arg16 : memref<!tpu.dma_semaphore, #tpu.memory_space<semaphore_mem>>) src(%dma_wait3A_161 : memref<8x128xf32, #tpu.memory_space<vmem>>) dst(%dma_wait3A_157 : memref<8x128xf32, #tpu.memory_space<hbm>>)
    } else {
    }
    %scan3A_69 = arith.constant 0 : i32
    %scan3A_70 = arith.constant 0 : i32
    %scan3A_71 = arith.constant 8 : i32
    %scan3A_72 = arith.addi %scan3A_70, %scan3A_71 : i32
    %scan3A_73 = arith.constant 1 : i32
    scf.for %scan3A_145 = %scan3A_70 to %scan3A_72 step %scan3A_73  : i32 {
      %broadcast_in_dim3A = arith.constant 0.000000e+00 : f32
      %broadcast_in_dim3A_146 = vector.broadcast %broadcast_in_dim3A : f32 to vector<16xf32>
      %broadcast_in_dim3A_147 = arith.constant 0.000000e+00 : f32
      %broadcast_in_dim3A_148 = vector.broadcast %broadcast_in_dim3A_147 : f32 to vector<16xf32>
      %broadcast_in_dim3A_149 = arith.constant 0.000000e+00 : f32
      %broadcast_in_dim3A_150 = vector.broadcast %broadcast_in_dim3A_149 : f32 to vector<16xf32>
      %broadcast_in_dim3A_151 = arith.constant 0.000000e+00 : f32
      %broadcast_in_dim3A_152 = vector.broadcast %broadcast_in_dim3A_151 : f32 to vector<16xf32>
      %broadcast_in_dim3A_153 = arith.constant 0.000000e+00 : f32
      %broadcast_in_dim3A_154 = vector.broadcast %broadcast_in_dim3A_153 : f32 to vector<16xf32>
      %broadcast_in_dim3A_155 = arith.constant 0.000000e+00 : f32
      %broadcast_in_dim3A_156 = vector.broadcast %broadcast_in_dim3A_155 : f32 to vector<16xf32>
      %broadcast_in_dim3A_157 = arith.constant 0.000000e+00 : f32
      %broadcast_in_dim3A_158 = vector.broadcast %broadcast_in_dim3A_157 : f32 to vector<16xf32>
      %broadcast_in_dim3A_159 = arith.constant 0.000000e+00 : f32
      %broadcast_in_dim3A_160 = vector.broadcast %broadcast_in_dim3A_159 : f32 to vector<16xf32>
      %scan3A_161 = arith.constant 0 : i32
      %scan3A_162 = arith.constant 29 : i32
      %scan3A_163 = arith.addi %scan3A_161, %scan3A_162 : i32
      %scan3A_164 = arith.constant 1 : i32
      %scan3A_165:8 = scf.for %scan3A_222 = %scan3A_161 to %scan3A_163 step %scan3A_164 iter_args(%scan3A_223 = %broadcast_in_dim3A_146, %scan3A_224 = %broadcast_in_dim3A_148, %scan3A_225 = %broadcast_in_dim3A_150, %scan3A_226 = %broadcast_in_dim3A_152, %scan3A_227 = %broadcast_in_dim3A_154, %scan3A_228 = %broadcast_in_dim3A_156, %scan3A_229 = %broadcast_in_dim3A_158, %scan3A_230 = %broadcast_in_dim3A_160) -> (vector<16xf32>, vector<16xf32>, vector<16xf32>, vector<16xf32>, vector<16xf32>, vector<16xf32>, vector<16xf32>, vector<16xf32>)  : i32 {
        %mul3A_231 = arith.constant 32 : i32
        %mul3A_232 = arith.muli %scan3A_145, %mul3A_231 : i32
        %add3A_233 = arith.addi %mul3A_232, %scan3A_222 : i32
        %get3A = arith.constant 0 : i32
        %get3A_234 = arith.index_cast %get3A : i32 to index
        %get3A_235 = arith.index_cast %add3A_233 : i32 to index
        %get3A_236 = arith.constant 0 : index
        %get3A_237 = tpu.vector_load %arg8[%get3A_234, %get3A_235, %get3A_236] {strides = array<i32>} : memref<3x256x128xf32, #tpu.memory_space<vmem>>, vector<1x1x16xf32>,
        %get3A_238 = vector.shape_cast %get3A_237 : vector<1x1x16xf32> to vector<16xf32>
        %add3A_239 = arith.addf %scan3A_223, %get3A_238 : vector<16xf32>
        %get3A_240 = arith.constant 0 : i32
        %get3A_241 = arith.index_cast %get3A_240 : i32 to index
        %get3A_242 = arith.index_cast %add3A_233 : i32 to index
        %get3A_243 = arith.constant 16 : index
        %get3A_244 = tpu.vector_load %arg8[%get3A_241, %get3A_242, %get3A_243] {strides = array<i32>} : memref<3x256x128xf32, #tpu.memory_space<vmem>>, vector<1x1x16xf32>,
        %get3A_245 = vector.shape_cast %get3A_244 : vector<1x1x16xf32> to vector<16xf32>
        %add3A_246 = arith.addf %scan3A_224, %get3A_245 : vector<16xf32>
        %get3A_247 = arith.constant 0 : i32
        %get3A_248 = arith.index_cast %get3A_247 : i32 to index
        %get3A_249 = arith.index_cast %add3A_233 : i32 to index
        %get3A_250 = arith.constant 32 : index
        %get3A_251 = tpu.vector_load %arg8[%get3A_248, %get3A_249, %get3A_250] {strides = array<i32>} : memref<3x256x128xf32, #tpu.memory_space<vmem>>, vector<1x1x16xf32>,
        %get3A_252 = vector.shape_cast %get3A_251 : vector<1x1x16xf32> to vector<16xf32>
        %add3A_253 = arith.addf %scan3A_225, %get3A_252 : vector<16xf32>
        %get3A_254 = arith.constant 0 : i32
        %get3A_255 = arith.index_cast %get3A_254 : i32 to index
        %get3A_256 = arith.index_cast %add3A_233 : i32 to index
        %get3A_257 = arith.constant 48 : index
        %get3A_258 = tpu.vector_load %arg8[%get3A_255, %get3A_256, %get3A_257] {strides = array<i32>} : memref<3x256x128xf32, #tpu.memory_space<vmem>>, vector<1x1x16xf32>,
        %get3A_259 = vector.shape_cast %get3A_258 : vector<1x1x16xf32> to vector<16xf32>
        %add3A_260 = arith.addf %scan3A_226, %get3A_259 : vector<16xf32>
        %get3A_261 = arith.constant 0 : i32
        %get3A_262 = arith.index_cast %get3A_261 : i32 to index
        %get3A_263 = arith.index_cast %add3A_233 : i32 to index
        %get3A_264 = arith.constant 64 : index
        %get3A_265 = tpu.vector_load %arg8[%get3A_262, %get3A_263, %get3A_264] {strides = array<i32>} : memref<3x256x128xf32, #tpu.memory_space<vmem>>, vector<1x1x16xf32>,
        %get3A_266 = vector.shape_cast %get3A_265 : vector<1x1x16xf32> to vector<16xf32>
        %add3A_267 = arith.addf %scan3A_227, %get3A_266 : vector<16xf32>
        %get3A_268 = arith.constant 0 : i32
        %get3A_269 = arith.index_cast %get3A_268 : i32 to index
        %get3A_270 = arith.index_cast %add3A_233 : i32 to index
        %get3A_271 = arith.constant 80 : index
        %get3A_272 = tpu.vector_load %arg8[%get3A_269, %get3A_270, %get3A_271] {strides = array<i32>} : memref<3x256x128xf32, #tpu.memory_space<vmem>>, vector<1x1x16xf32>,
        %get3A_273 = vector.shape_cast %get3A_272 : vector<1x1x16xf32> to vector<16xf32>
        %add3A_274 = arith.addf %scan3A_228, %get3A_273 : vector<16xf32>
        %get3A_275 = arith.constant 0 : i32
        %get3A_276 = arith.index_cast %get3A_275 : i32 to index
        %get3A_277 = arith.index_cast %add3A_233 : i32 to index
        %get3A_278 = arith.constant 96 : index
        %get3A_279 = tpu.vector_load %arg8[%get3A_276, %get3A_277, %get3A_278] {strides = array<i32>} : memref<3x256x128xf32, #tpu.memory_space<vmem>>, vector<1x1x16xf32>,
        %get3A_280 = vector.shape_cast %get3A_279 : vector<1x1x16xf32> to vector<16xf32>
        %add3A_281 = arith.addf %scan3A_229, %get3A_280 : vector<16xf32>
        %get3A_282 = arith.constant 0 : i32
        %get3A_283 = arith.index_cast %get3A_282 : i32 to index
        %get3A_284 = arith.index_cast %add3A_233 : i32 to index
        %get3A_285 = arith.constant 112 : index
        %get3A_286 = tpu.vector_load %arg8[%get3A_283, %get3A_284, %get3A_285] {strides = array<i32>} : memref<3x256x128xf32, #tpu.memory_space<vmem>>, vector<1x1x16xf32>,
        %get3A_287 = vector.shape_cast %get3A_286 : vector<1x1x16xf32> to vector<16xf32>
        %add3A_288 = arith.addf %scan3A_230, %get3A_287 : vector<16xf32>
        scf.yield %add3A_239, %add3A_246, %add3A_253, %add3A_260, %add3A_267, %add3A_274, %add3A_281, %add3A_288 : vector<16xf32>, vector<16xf32>, vector<16xf32>, vector<16xf32>, vector<16xf32>, vector<16xf32>, vector<16xf32>, vector<16xf32>
      }
      %scan3A_166 = arith.constant 29 : i32
      %swap3A = arith.constant 0 : i32
      %swap3A_167 = arith.index_cast %swap3A : i32 to index
      %swap3A_168 = arith.index_cast %scan3A_145 : i32 to index
      %swap3A_169 = arith.constant 0 : index
      %swap3A_170 = tpu.vector_load %arg9[%swap3A_167, %swap3A_168, %swap3A_169] {strides = array<i32>} : memref<3x8x128xf32, #tpu.memory_space<vmem>>, vector<1x1x16xf32>,
      %swap3A_171 = vector.shape_cast %swap3A_170 : vector<1x1x16xf32> to vector<16xf32>
      %swap3A_172 = vector.shape_cast %scan3A_165#0 : vector<16xf32> to vector<1x1x16xf32>
      tpu.vector_store %arg9[%swap3A_167, %swap3A_168, %swap3A_169], %swap3A_172 {strides = array<i32>} : memref<3x8x128xf32, #tpu.memory_space<vmem>>, vector<1x1x16xf32>,
      %swap3A_173 = arith.constant 0 : i32
      %swap3A_174 = arith.index_cast %swap3A_173 : i32 to index
      %swap3A_175 = arith.index_cast %scan3A_145 : i32 to index
      %swap3A_176 = arith.constant 16 : index
      %swap3A_177 = tpu.vector_load %arg9[%swap3A_174, %swap3A_175, %swap3A_176] {strides = array<i32>} : memref<3x8x128xf32, #tpu.memory_space<vmem>>, vector<1x1x16xf32>,
      %swap3A_178 = vector.shape_cast %swap3A_177 : vector<1x1x16xf32> to vector<16xf32>
      %swap3A_179 = vector.shape_cast %scan3A_165#1 : vector<16xf32> to vector<1x1x16xf32>
      tpu.vector_store %arg9[%swap3A_174, %swap3A_175, %swap3A_176], %swap3A_179 {strides = array<i32>} : memref<3x8x128xf32, #tpu.memory_space<vmem>>, vector<1x1x16xf32>,
      %swap3A_180 = arith.constant 0 : i32
      %swap3A_181 = arith.index_cast %swap3A_180 : i32 to index
      %swap3A_182 = arith.index_cast %scan3A_145 : i32 to index
      %swap3A_183 = arith.constant 32 : index
      %swap3A_184 = tpu.vector_load %arg9[%swap3A_181, %swap3A_182, %swap3A_183] {strides = array<i32>} : memref<3x8x128xf32, #tpu.memory_space<vmem>>, vector<1x1x16xf32>,
      %swap3A_185 = vector.shape_cast %swap3A_184 : vector<1x1x16xf32> to vector<16xf32>
      %swap3A_186 = vector.shape_cast %scan3A_165#2 : vector<16xf32> to vector<1x1x16xf32>
      tpu.vector_store %arg9[%swap3A_181, %swap3A_182, %swap3A_183], %swap3A_186 {strides = array<i32>} : memref<3x8x128xf32, #tpu.memory_space<vmem>>, vector<1x1x16xf32>,
      %swap3A_187 = arith.constant 0 : i32
      %swap3A_188 = arith.index_cast %swap3A_187 : i32 to index
      %swap3A_189 = arith.index_cast %scan3A_145 : i32 to index
      %swap3A_190 = arith.constant 48 : index
      %swap3A_191 = tpu.vector_load %arg9[%swap3A_188, %swap3A_189, %swap3A_190] {strides = array<i32>} : memref<3x8x128xf32, #tpu.memory_space<vmem>>, vector<1x1x16xf32>,
      %swap3A_192 = vector.shape_cast %swap3A_191 : vector<1x1x16xf32> to vector<16xf32>
      %swap3A_193 = vector.shape_cast %scan3A_165#3 : vector<16xf32> to vector<1x1x16xf32>
      tpu.vector_store %arg9[%swap3A_188, %swap3A_189, %swap3A_190], %swap3A_193 {strides = array<i32>} : memref<3x8x128xf32, #tpu.memory_space<vmem>>, vector<1x1x16xf32>,
      %swap3A_194 = arith.constant 0 : i32
      %swap3A_195 = arith.index_cast %swap3A_194 : i32 to index
      %swap3A_196 = arith.index_cast %scan3A_145 : i32 to index
      %swap3A_197 = arith.constant 64 : index
      %swap3A_198 = tpu.vector_load %arg9[%swap3A_195, %swap3A_196, %swap3A_197] {strides = array<i32>} : memref<3x8x128xf32, #tpu.memory_space<vmem>>, vector<1x1x16xf32>,
      %swap3A_199 = vector.shape_cast %swap3A_198 : vector<1x1x16xf32> to vector<16xf32>
      %swap3A_200 = vector.shape_cast %scan3A_165#4 : vector<16xf32> to vector<1x1x16xf32>
      tpu.vector_store %arg9[%swap3A_195, %swap3A_196, %swap3A_197], %swap3A_200 {strides = array<i32>} : memref<3x8x128xf32, #tpu.memory_space<vmem>>, vector<1x1x16xf32>,
      %swap3A_201 = arith.constant 0 : i32
      %swap3A_202 = arith.index_cast %swap3A_201 : i32 to index
      %swap3A_203 = arith.index_cast %scan3A_145 : i32 to index
      %swap3A_204 = arith.constant 80 : index
      %swap3A_205 = tpu.vector_load %arg9[%swap3A_202, %swap3A_203, %swap3A_204] {strides = array<i32>} : memref<3x8x128xf32, #tpu.memory_space<vmem>>, vector<1x1x16xf32>,
      %swap3A_206 = vector.shape_cast %swap3A_205 : vector<1x1x16xf32> to vector<16xf32>
      %swap3A_207 = vector.shape_cast %scan3A_165#5 : vector<16xf32> to vector<1x1x16xf32>
      tpu.vector_store %arg9[%swap3A_202, %swap3A_203, %swap3A_204], %swap3A_207 {strides = array<i32>} : memref<3x8x128xf32, #tpu.memory_space<vmem>>, vector<1x1x16xf32>,
      %swap3A_208 = arith.constant 0 : i32
      %swap3A_209 = arith.index_cast %swap3A_208 : i32 to index
      %swap3A_210 = arith.index_cast %scan3A_145 : i32 to index
      %swap3A_211 = arith.constant 96 : index
      %swap3A_212 = tpu.vector_load %arg9[%swap3A_209, %swap3A_210, %swap3A_211] {strides = array<i32>} : memref<3x8x128xf32, #tpu.memory_space<vmem>>, vector<1x1x16xf32>,
      %swap3A_213 = vector.shape_cast %swap3A_212 : vector<1x1x16xf32> to vector<16xf32>
      %swap3A_214 = vector.shape_cast %scan3A_165#6 : vector<16xf32> to vector<1x1x16xf32>
      tpu.vector_store %arg9[%swap3A_209, %swap3A_210, %swap3A_211], %swap3A_214 {strides = array<i32>} : memref<3x8x128xf32, #tpu.memory_space<vmem>>, vector<1x1x16xf32>,
      %swap3A_215 = arith.constant 0 : i32
      %swap3A_216 = arith.index_cast %swap3A_215 : i32 to index
      %swap3A_217 = arith.index_cast %scan3A_145 : i32 to index
      %swap3A_218 = arith.constant 112 : index
      %swap3A_219 = tpu.vector_load %arg9[%swap3A_216, %swap3A_217, %swap3A_218] {strides = array<i32>} : memref<3x8x128xf32, #tpu.memory_space<vmem>>, vector<1x1x16xf32>,
      %swap3A_220 = vector.shape_cast %swap3A_219 : vector<1x1x16xf32> to vector<16xf32>
      %swap3A_221 = vector.shape_cast %scan3A_165#7 : vector<16xf32> to vector<1x1x16xf32>
      tpu.vector_store %arg9[%swap3A_216, %swap3A_217, %swap3A_218], %swap3A_221 {strides = array<i32>} : memref<3x8x128xf32, #tpu.memory_space<vmem>>, vector<1x1x16xf32>,
    }
    %scan3A_74 = arith.constant 8 : i32
    %mul3A_75 = arith.constant 63 : i32
    %mul3A_76 = arith.constant 8 : i32
    %mul3A_77 = arith.muli %mul3A_75, %mul3A_76 : i32
    %add3A_78 = arith.addi %mul3A_2, %mul3A_77 : i32
    %dma_start3A_79 = arith.constant 0 : i32
    %dma_start3A_80 = arith.constant 0 : i32
    %dma_start3A_81 = arith.constant 0 : i32
    %dma_start3A_82 = tpu.memref_slice %arg9[%dma_start3A_79, %dma_start3A_80, %dma_start3A_81] : memref<3x8x128xf32, #tpu.memory_space<vmem>> -> memref<1x8x128xf32, #tpu.memory_space<vmem>>
    %dma_start3A_83 = tpu.memref_squeeze %dma_start3A_82 : memref<1x8x128xf32, #tpu.memory_space<vmem>> -> memref<8x128xf32, #tpu.memory_space<vmem>>
    %dma_start3A_84 = arith.constant 0 : i32
    %dma_start3A_85 = tpu.memref_slice %arg4[%add3A_78, %dma_start3A_84] : memref<16384x128xf32, #tpu.memory_space<hbm>> -> memref<8x128xf32, #tpu.memory_space<hbm>>
    %dma_start3A_86 = arith.constant 0 : i32
    %dma_start3A_87 = tpu.memref_slice %arg4[%add3A_78, %dma_start3A_86] : memref<16384x128xf32, #tpu.memory_space<hbm>> -> memref<8x128xf32, #tpu.memory_space<hbm>>
    %dma_start3A_88 = arith.constant 0 : i32
    %dma_start3A_89 = arith.constant 0 : i32
    %dma_start3A_90 = tpu.memref_slice %arg9[%dma_start3A_79, %dma_start3A_88, %dma_start3A_89] : memref<3x8x128xf32, #tpu.memory_space<vmem>> -> memref<1x8x128xf32, #tpu.memory_space<vmem>>
    %dma_start3A_91 = tpu.memref_squeeze %dma_start3A_90 : memref<1x8x128xf32, #tpu.memory_space<vmem>> -> memref<8x128xf32, #tpu.memory_space<vmem>>
    tpu.enqueue_dma source(%dma_start3A_91 : memref<8x128xf32, #tpu.memory_space<vmem>>) target(%dma_start3A_87 : memref<8x128xf32, #tpu.memory_space<hbm>>) target_semaphore(%arg16 : memref<!tpu.dma_semaphore, #tpu.memory_space<semaphore_mem>>)
    %add3A_92 = arith.constant 63 : i32
    %add3A_93 = arith.constant 3 : i32
    %add3A_94 = arith.addi %add3A_92, %add3A_93 : i32
    %lt3A_95 = arith.constant 64 : i32
    %lt3A_96 = arith.cmpi slt, %add3A_94, %lt3A_95 : i32
    %convert_element_type3A_97 = arith.extui %lt3A_96 : i1 to i32
    %cond3A_98 = arith.constant 0 : i32
    %cond3A_99 = arith.cmpi ne, %convert_element_type3A_97, %cond3A_98 : i32
    scf.if %cond3A_99 {
      %dma_wait3A_145 = tpu.memref_slice %arg2[%mul3A_4] : memref<524288xi32, #tpu.memory_space<hbm>> -> memref<256xi32, #tpu.memory_space<hbm>>
      %dma_wait3A_146 = tpu.memref_slice %arg2[%mul3A_4] : memref<524288xi32, #tpu.memory_space<hbm>> -> memref<256xi32, #tpu.memory_space<hbm>>
      tpu.wait_dma2 semaphore(%arg13 : memref<!tpu.dma_semaphore, #tpu.memory_space<semaphore_mem>>) src(%dma_wait3A_146 : memref<256xi32, #tpu.memory_space<hbm>>) dst(%arg5 : memref<256xi32, #tpu.memory_space<vmem>>)
      %dma_start3A_147 = arith.constant 0 : i32
      %dma_start3A_148 = arith.constant 0 : i32
      %dma_start3A_149 = arith.constant 0 : i32
      %dma_start3A_150 = tpu.memref_slice %arg8[%dma_start3A_147, %dma_start3A_148, %dma_start3A_149] : memref<3x256x128xf32, #tpu.memory_space<vmem>> -> memref<1x256x128xf32, #tpu.memory_space<vmem>>
      %dma_start3A_151 = tpu.memref_squeeze %dma_start3A_150 : memref<1x256x128xf32, #tpu.memory_space<vmem>> -> memref<256x128xf32, #tpu.memory_space<vmem>>
      %dma_start3A_152 = arith.constant 0 : i32
      %dma_start3A_153 = arith.constant 0 : i32
      %dma_start3A_154 = tpu.memref_slice %arg3[%dma_start3A_152, %dma_start3A_153] : memref<14848x128xf32, #tpu.memory_space<hbm>> -> memref<14848x128xf32, #tpu.memory_space<hbm>>
      tpu.enqueue_indirect_dma source(%dma_start3A_154 : memref<14848x128xf32, #tpu.memory_space<hbm>>) target(%dma_start3A_151 : memref<256x128xf32, #tpu.memory_space<vmem>>) offsets(%arg5 : memref<256xi32, #tpu.memory_space<vmem>>) semaphore(%arg10 : memref<!tpu.dma_semaphore, #tpu.memory_space<semaphore_mem>>)
    } else {
    }
    %add3A_100 = arith.constant 488 : i32
    %add3A_101 = arith.addi %mul3A_2, %add3A_100 : i32
    %dma_wait3A_102 = arith.constant 1 : i32
    %dma_wait3A_103 = arith.constant 0 : i32
    %dma_wait3A_104 = arith.constant 0 : i32
    %dma_wait3A_105 = tpu.memref_slice %arg9[%dma_wait3A_102, %dma_wait3A_103, %dma_wait3A_104] : memref<3x8x128xf32, #tpu.memory_space<vmem>> -> memref<1x8x128xf32, #tpu.memory_space<vmem>>
    %dma_wait3A_106 = tpu.memref_squeeze %dma_wait3A_105 : memref<1x8x128xf32, #tpu.memory_space<vmem>> -> memref<8x128xf32, #tpu.memory_space<vmem>>
    %dma_wait3A_107 = arith.constant 0 : i32
    %dma_wait3A_108 = tpu.memref_slice %arg4[%add3A_101, %dma_wait3A_107] : memref<16384x128xf32, #tpu.memory_space<hbm>> -> memref<8x128xf32, #tpu.memory_space<hbm>>
    %dma_wait3A_109 = arith.constant 0 : i32
    %dma_wait3A_110 = tpu.memref_slice %arg4[%add3A_101, %dma_wait3A_109] : memref<16384x128xf32, #tpu.memory_space<hbm>> -> memref<8x128xf32, #tpu.memory_space<hbm>>
    %dma_wait3A_111 = arith.constant 0 : i32
    %dma_wait3A_112 = arith.constant 0 : i32
    %dma_wait3A_113 = tpu.memref_slice %arg9[%dma_wait3A_102, %dma_wait3A_111, %dma_wait3A_112] : memref<3x8x128xf32, #tpu.memory_space<vmem>> -> memref<1x8x128xf32, #tpu.memory_space<vmem>>
    %dma_wait3A_114 = tpu.memref_squeeze %dma_wait3A_113 : memref<1x8x128xf32, #tpu.memory_space<vmem>> -> memref<8x128xf32, #tpu.memory_space<vmem>>
    tpu.wait_dma2 semaphore(%arg17 : memref<!tpu.dma_semaphore, #tpu.memory_space<semaphore_mem>>) src(%dma_wait3A_114 : memref<8x128xf32, #tpu.memory_space<vmem>>) dst(%dma_wait3A_110 : memref<8x128xf32, #tpu.memory_space<hbm>>)
    %add3A_115 = arith.constant 496 : i32
    %add3A_116 = arith.addi %mul3A_2, %add3A_115 : i32
    %dma_wait3A_117 = arith.constant 2 : i32
    %dma_wait3A_118 = arith.constant 0 : i32
    %dma_wait3A_119 = arith.constant 0 : i32
    %dma_wait3A_120 = tpu.memref_slice %arg9[%dma_wait3A_117, %dma_wait3A_118, %dma_wait3A_119] : memref<3x8x128xf32, #tpu.memory_space<vmem>> -> memref<1x8x128xf32, #tpu.memory_space<vmem>>
    %dma_wait3A_121 = tpu.memref_squeeze %dma_wait3A_120 : memref<1x8x128xf32, #tpu.memory_space<vmem>> -> memref<8x128xf32, #tpu.memory_space<vmem>>
    %dma_wait3A_122 = arith.constant 0 : i32
    %dma_wait3A_123 = tpu.memref_slice %arg4[%add3A_116, %dma_wait3A_122] : memref<16384x128xf32, #tpu.memory_space<hbm>> -> memref<8x128xf32, #tpu.memory_space<hbm>>
    %dma_wait3A_124 = arith.constant 0 : i32
    %dma_wait3A_125 = tpu.memref_slice %arg4[%add3A_116, %dma_wait3A_124] : memref<16384x128xf32, #tpu.memory_space<hbm>> -> memref<8x128xf32, #tpu.memory_space<hbm>>
    %dma_wait3A_126 = arith.constant 0 : i32
    %dma_wait3A_127 = arith.constant 0 : i32
    %dma_wait3A_128 = tpu.memref_slice %arg9[%dma_wait3A_117, %dma_wait3A_126, %dma_wait3A_127] : memref<3x8x128xf32, #tpu.memory_space<vmem>> -> memref<1x8x128xf32, #tpu.memory_space<vmem>>
    %dma_wait3A_129 = tpu.memref_squeeze %dma_wait3A_128 : memref<1x8x128xf32, #tpu.memory_space<vmem>> -> memref<8x128xf32, #tpu.memory_space<vmem>>
    tpu.wait_dma2 semaphore(%arg18 : memref<!tpu.dma_semaphore, #tpu.memory_space<semaphore_mem>>) src(%dma_wait3A_129 : memref<8x128xf32, #tpu.memory_space<vmem>>) dst(%dma_wait3A_125 : memref<8x128xf32, #tpu.memory_space<hbm>>)
    %add3A_130 = arith.constant 504 : i32
    %add3A_131 = arith.addi %mul3A_2, %add3A_130 : i32
    %dma_wait3A_132 = arith.constant 0 : i32
    %dma_wait3A_133 = arith.constant 0 : i32
    %dma_wait3A_134 = arith.constant 0 : i32
    %dma_wait3A_135 = tpu.memref_slice %arg9[%dma_wait3A_132, %dma_wait3A_133, %dma_wait3A_134] : memref<3x8x128xf32, #tpu.memory_space<vmem>> -> memref<1x8x128xf32, #tpu.memory_space<vmem>>
    %dma_wait3A_136 = tpu.memref_squeeze %dma_wait3A_135 : memref<1x8x128xf32, #tpu.memory_space<vmem>> -> memref<8x128xf32, #tpu.memory_space<vmem>>
    %dma_wait3A_137 = arith.constant 0 : i32
    %dma_wait3A_138 = tpu.memref_slice %arg4[%add3A_131, %dma_wait3A_137] : memref<16384x128xf32, #tpu.memory_space<hbm>> -> memref<8x128xf32, #tpu.memory_space<hbm>>
    %dma_wait3A_139 = arith.constant 0 : i32
    %dma_wait3A_140 = tpu.memref_slice %arg4[%add3A_131, %dma_wait3A_139] : memref<16384x128xf32, #tpu.memory_space<hbm>> -> memref<8x128xf32, #tpu.memory_space<hbm>>
    %dma_wait3A_141 = arith.constant 0 : i32
    %dma_wait3A_142 = arith.constant 0 : i32
    %dma_wait3A_143 = tpu.memref_slice %arg9[%dma_wait3A_132, %dma_wait3A_141, %dma_wait3A_142] : memref<3x8x128xf32, #tpu.memory_space<vmem>> -> memref<1x8x128xf32, #tpu.memory_space<vmem>>
    %dma_wait3A_144 = tpu.memref_squeeze %dma_wait3A_143 : memref<1x8x128xf32, #tpu.memory_space<vmem>> -> memref<8x128xf32, #tpu.memory_space<vmem>>
    tpu.wait_dma2 semaphore(%arg16 : memref<!tpu.dma_semaphore, #tpu.memory_space<semaphore_mem>>) src(%dma_wait3A_144 : memref<8x128xf32, #tpu.memory_space<vmem>>) dst(%dma_wait3A_140 : memref<8x128xf32, #tpu.memory_space<hbm>>)
    return
  }
}

module attributes {stable_mosaic.version = 14 : i64} {
  func.func @_mlp_body(%arg0: i32, %arg1: memref<8192x128xf32, #tpu.memory_space<vmem>>, %arg2: memref<32x128xf32, #tpu.memory_space<vmem>>, %arg3: memref<1x32xf32, #tpu.memory_space<vmem>>, %arg4: memref<32x64xf32, #tpu.memory_space<vmem>>, %arg5: memref<1x32xf32, #tpu.memory_space<vmem>>, %arg6: memref<1x64xf32, #tpu.memory_space<vmem>>, %arg7: memref<1x8192xf32, #tpu.memory_space<vmem>>) attributes {dimension_semantics = [#tpu.dimension_semantics<arbitrary>], iteration_bounds = array<i64: 2>, scalar_prefetch = 0 : i64, scratch_operands = 0 : i64, tpu.core_type = #tpu.core_type<tc>, window_params = [{transform_indices = @transform_0, window_bounds = array<i64: 8192, 128>}, {pipeline_mode = #tpu.pipeline_mode<synchronous>, transform_indices = @transform_1, window_bounds = array<i64: 32, 128>}, {pipeline_mode = #tpu.pipeline_mode<synchronous>, transform_indices = @transform_2, window_bounds = array<i64: 1, 32>}, {pipeline_mode = #tpu.pipeline_mode<synchronous>, transform_indices = @transform_3, window_bounds = array<i64: 32, 64>}, {pipeline_mode = #tpu.pipeline_mode<synchronous>, transform_indices = @transform_4, window_bounds = array<i64: 1, 32>}, {pipeline_mode = #tpu.pipeline_mode<synchronous>, transform_indices = @transform_5, window_bounds = array<i64: 1, 64>}, {transform_indices = @transform_6, window_bounds = array<i64: 1, 8192>}]} {
    %get3A = arith.constant 0 : index
    %get3A_0 = arith.constant 0 : index
    %get3A_1 = vector.load %arg1[%get3A, %get3A_0] : memref<8192x128xf32, #tpu.memory_space<vmem>>, vector<8192x128xf32>
    %max3A = arith.constant 0.000000e+00 : f32
    %max3A_2 = vector.broadcast %max3A : f32 to vector<8192x128xf32>
    %max3A_3 = arith.maximumf %get3A_1, %max3A_2 : vector<8192x128xf32>
    %get3A_4 = arith.constant 0 : index
    %get3A_5 = arith.constant 0 : index
    %get3A_6 = vector.load %arg2[%get3A_4, %get3A_5] : memref<32x128xf32, #tpu.memory_space<vmem>>, vector<32x128xf32>
    %dot_general3A = arith.constant dense<0.000000e+00> : vector<8192x32xf32>
    %dot_general3A_7 = tpu.matmul %max3A_3, %get3A_6, %dot_general3A {dimension_numbers = #tpu.dot_dimension_numbers<[1], [1], [0], [0], [0, 0, 1, 0], [], []>, transpose_lhs_hint = false} : vector<8192x128xf32>, vector<32x128xf32>, vector<8192x32xf32> -> vector<8192x32xf32>
    %get3A_8 = arith.constant 0 : index
    %get3A_9 = arith.constant 0 : index
    %get3A_10 = vector.load %arg3[%get3A_8, %get3A_9] : memref<1x32xf32, #tpu.memory_space<vmem>>, vector<1x32xf32>
    %add3A = vector.broadcast %get3A_10 : vector<1x32xf32> to vector<8192x32xf32>
    %add3A_11 = arith.addf %dot_general3A_7, %add3A : vector<8192x32xf32>
    %neg3A = arith.constant 0.000000e+00 : f32
    %neg3A_12 = vector.broadcast %neg3A : f32 to vector<8192x32xf32>
    %neg3A_13 = arith.subf %neg3A_12, %add3A_11 : vector<8192x32xf32>
    %concatenate3A = tpu.concatenate %add3A_11, %neg3A_13 in 1 : vector<8192x32xf32>, vector<8192x32xf32> -> vector<8192x64xf32>
    %max3A_14 = arith.constant 0.000000e+00 : f32
    %max3A_15 = vector.broadcast %max3A_14 : f32 to vector<8192x64xf32>
    %max3A_16 = arith.maximumf %concatenate3A, %max3A_15 : vector<8192x64xf32>
    %get3A_17 = arith.constant 0 : index
    %get3A_18 = arith.constant 0 : index
    %get3A_19 = vector.load %arg4[%get3A_17, %get3A_18] : memref<32x64xf32, #tpu.memory_space<vmem>>, vector<32x64xf32>
    %dot_general3A_20 = arith.constant dense<0.000000e+00> : vector<8192x32xf32>
    %dot_general3A_21 = tpu.matmul %max3A_16, %get3A_19, %dot_general3A_20 {dimension_numbers = #tpu.dot_dimension_numbers<[1], [1], [0], [0], [0, 0, 1, 0], [], []>, transpose_lhs_hint = false} : vector<8192x64xf32>, vector<32x64xf32>, vector<8192x32xf32> -> vector<8192x32xf32>
    %get3A_22 = arith.constant 0 : index
    %get3A_23 = arith.constant 0 : index
    %get3A_24 = vector.load %arg5[%get3A_22, %get3A_23] : memref<1x32xf32, #tpu.memory_space<vmem>>, vector<1x32xf32>
    %add3A_25 = vector.broadcast %get3A_24 : vector<1x32xf32> to vector<8192x32xf32>
    %add3A_26 = arith.addf %dot_general3A_21, %add3A_25 : vector<8192x32xf32>
    %neg3A_27 = arith.constant 0.000000e+00 : f32
    %neg3A_28 = vector.broadcast %neg3A_27 : f32 to vector<8192x32xf32>
    %neg3A_29 = arith.subf %neg3A_28, %add3A_26 : vector<8192x32xf32>
    %concatenate3A_30 = tpu.concatenate %add3A_26, %neg3A_29 in 1 : vector<8192x32xf32>, vector<8192x32xf32> -> vector<8192x64xf32>
    %max3A_31 = arith.constant 0.000000e+00 : f32
    %max3A_32 = vector.broadcast %max3A_31 : f32 to vector<8192x64xf32>
    %max3A_33 = arith.maximumf %concatenate3A_30, %max3A_32 : vector<8192x64xf32>
    %get3A_34 = arith.constant 0 : index
    %get3A_35 = arith.constant 0 : index
    %get3A_36 = vector.load %arg6[%get3A_34, %get3A_35] : memref<1x64xf32, #tpu.memory_space<vmem>>, vector<1x64xf32>
    %dot_general3A_37 = arith.constant dense<0.000000e+00> : vector<1x8192xf32>
    %dot_general3A_38 = tpu.matmul %get3A_36, %max3A_33, %dot_general3A_37 {dimension_numbers = #tpu.dot_dimension_numbers<[1], [1], [0], [0], [0, 0, 1, 0], [], []>, transpose_lhs_hint = false} : vector<1x64xf32>, vector<8192x64xf32>, vector<1x8192xf32> -> vector<1x8192xf32>
    %swap3A = arith.constant 0 : index
    %swap3A_39 = arith.constant 0 : index
    %swap3A_40 = vector.load %arg7[%swap3A, %swap3A_39] : memref<1x8192xf32, #tpu.memory_space<vmem>>, vector<1x8192xf32>
    tpu.vector_store %arg7[%swap3A, %swap3A_39], %dot_general3A_38 {strides = array<i32>} : memref<1x8192xf32, #tpu.memory_space<vmem>>, vector<1x8192xf32>,
    return
  }
  func.func @transform_0(%arg0: i32) -> (i32, i32) {
    %c0_i32 = arith.constant 0 : i32
    %c0_i32_0 = arith.constant 0 : i32
    return %arg0, %c0_i32 : i32, i32
  }
  func.func @transform_1(%arg0: i32) -> (i32, i32) {
    %c0_i32 = arith.constant 0 : i32
    %c0_i32_0 = arith.constant 0 : i32
    %c0_i32_1 = arith.constant 0 : i32
    return %c0_i32, %c0_i32_0 : i32, i32
  }
  func.func @transform_2(%arg0: i32) -> (i32, i32) {
    %c0_i32 = arith.constant 0 : i32
    %c0_i32_0 = arith.constant 0 : i32
    %c0_i32_1 = arith.constant 0 : i32
    return %c0_i32, %c0_i32_0 : i32, i32
  }
  func.func @transform_3(%arg0: i32) -> (i32, i32) {
    %c0_i32 = arith.constant 0 : i32
    %c0_i32_0 = arith.constant 0 : i32
    %c0_i32_1 = arith.constant 0 : i32
    return %c0_i32, %c0_i32_0 : i32, i32
  }
  func.func @transform_4(%arg0: i32) -> (i32, i32) {
    %c0_i32 = arith.constant 0 : i32
    %c0_i32_0 = arith.constant 0 : i32
    %c0_i32_1 = arith.constant 0 : i32
    return %c0_i32, %c0_i32_0 : i32, i32
  }
  func.func @transform_5(%arg0: i32) -> (i32, i32) {
    %c0_i32 = arith.constant 0 : i32
    %c0_i32_0 = arith.constant 0 : i32
    %c0_i32_1 = arith.constant 0 : i32
    return %c0_i32, %c0_i32_0 : i32, i32
  }
  func.func @transform_6(%arg0: i32) -> (i32, i32) {
    %c0_i32 = arith.constant 0 : i32
    %c0_i32_0 = arith.constant 0 : i32
    return %c0_i32, %arg0 : i32, i32
  }
}

</mosaic_0001>

<sc_bundles>
// kernel: kernel.4.cloned.1.call-start
scs
__scs_entry_jumppad:
0x0: {  	(pc) =	sbr.rel $0x88, $3  }
0x1: {  	(tag) =	ssettag $0x0;
	lr =	simm.s32 $0x1  }
0x2: {  	[smem:$0x3F9A] =	sst lr;
	_ =	strace $0xD0000000  }
0x3: {  	_ = 	snop  }
0x4: {  	_ = 	snop  }
0x5: {  	_ = 	snop  }
0x6: {  	_ = 	snop  }
0x7: {  	_ = 	snop  }
__scs_overlays_trampoline_lowered:
0x8: {  	[smem:$0x3FA9] =	sst s0  }
0x9: {  	[smem:$0x3FAA] =	sst s1  }
0xa: {  	[smem:$0x3FAB] =	sst s2  }
0xb: {  	[smem:$0x3FAC] =	sst s3  }
0xc: {  	[smem:$0x3FAD] =	sst s4  }
0xd: {  	[smem:$0x3FAE] =	sst s5  }
0xe: {  	[smem:$0x3FAF] =	sst s6  }
0xf: {  	[smem:$0x3FB0] =	sst s7  }
0x10: {  	[smem:$0x3FB1] =	sst s8  }
0x11: {  	[smem:$0x3FB2] =	sst s9;
	s0 =	simm.s32 @!p0 $0x0  }
0x12: {  	s1 =	sld [smem:$0x3F98];
	s0 =	simm.s32 @p0 $0x1  }
0x13: {  	[smem:$0x3FB3] =	sst s0;
	s0 =	simm.s32 @!p1 $0x0  }
0x14: {  	s2 =	sld [smem:$0x3F97];
	s0 =	simm.s32 @p1 $0x1  }
0x15: {  	[smem:$0x3FB4] =	sst s0;
	s0 =	simm.s32 @!p2 $0x0  }
0x16: {  	s3 =	sld [smem:$0x3FDB];
	s0 =	simm.s32 @p2 $0x1  }
0x17: {  	s4 =	simm.s32 $0x1BF5;
	[smem:$0x3FB6] =	sst s0  }
0x18: {  	s0 =	sld [smem:$0x3F99];
	_ =	swait.ge [sflag:s4], $0x0  }
0x19: {  	s7 =	sld [smem:$0x3F9A]  }
0x1a: {  	s8 =	sadd.s32 $0xFFFFE003, lr  }
0x1b: {  	s9 =	sadd.s32 $0xFFFFFEF7, lr;
	s5 =	simm.s32 $0xFFFFFFFF;
	p2 =	slt.u32 s8, $0xFFFFF086  }
0x1c: {  	p1 =	slt.u32 s9, $0xF7A;
	s5 =	simm.s32 @!p2 $0x0  }
0x1d: {  	s5 =	simm.s32 @p1 $0x1;
	p0 =	seq.s32 s7, s2  }
0x1e: {  	s7 =	smul.u32 @!p0 $0xF7A, s2;
	p2 =	seq.s32 @!p0 s5, $0x0  }
0x1f: {  	s9 =	smul.u32 $0xF7A, s1;
	s8 =	simm.s32 @!p0 $0x1BF5;
	p2 =	por !p2, p0  }
0x20: {  	[sflag:s8] =	ssyncset.s32 @!p0 $0xFFFFF086;
	s6 =	sadd.s32 @!p0 s3, s7;
	s7 =	simm.s32 @!p0 $0x108  }
0x21: {  	s3 =	sadd.s32 s3, s9;
	s6 =	sadd.s32 @!p0 $0x88, s6;
	s7 =	simm.s32 @p2 $0x1082  }
0x22: {  	[simem:s7], [sflag:s8] =	dma.local @!p0 [hbm:s6], $0xF7A  }
0x23: {  	s9 =	sor.u32 $0xD0000000, s2;
	s6 =	simm.s32 $0x108;
	_ =	swait.ge @!p0 [sflag:s8], $0x0  }
0x24: {  	s3 =	sadd.s32 $0x88, s3;
	s6 =	simm.s32 @!p1 $0x1082;
	[sflag:s4] =	ssyncset.s32 $0xFFFFF086  }
0x25: {  	[simem:s6], [sflag:s4] =	dma.local [hbm:s3], $0xF7A  }
0x26: {  	[smem:$0x3F9A] =	sst s1;
	(tag) =	ssettag s2;
	_ =	strace s9  }
0x27: {  	s1 =	sld [smem:$0x3FAA]  }
0x28: {  	s2 =	sld [smem:$0x3FAB]  }
0x29: {  	s4 =	sld [smem:$0x3FAD]  }
0x2a: {  	p0 =	seq.s32 s5, $0x0;
	s5 =	sld [smem:$0x3FAE]  }
0x2b: {  	s6 =	sld [smem:$0x3FAF]  }
0x2c: {  	s7 =	sld [smem:$0x3FB0]  }
0x2d: {  	s3 =	simm.s32 $0x108;
	s8 =	sld [smem:$0x3FB1]  }
0x2e: {  	s3 =	simm.s32 @!p0 $0x1082;
	s9 =	sld [smem:$0x3FB2]  }
0x2f: {  	lr =	sadd.s32 s0, s3;
	s0 =	sld [smem:$0x3FA9]  }
0x30: {  	s3 =	sld [smem:$0x3FAC]  }
0x31: {  	[smem:$0x3FB5] =	sst s10  }
0x32: {  	s10 =	sld [smem:$0x3FB3];
	_ =	sdelay $0x3  }
0x33: {  	p0 =	seq.s32 s10, $0x1;
	s10 =	sld [smem:$0x3FB5];
	_ =	sdelay $0x3  }
0x34: {  	[smem:$0x3FB5] =	sst s10  }
0x35: {  	s10 =	sld [smem:$0x3FB4];
	_ =	sdelay $0x3  }
0x36: {  	p1 =	seq.s32 s10, $0x1;
	s10 =	sld [smem:$0x3FB5];
	_ =	sdelay $0x3  }
0x37: {  	[smem:$0x3FB5] =	sst s10  }
0x38: {  	s10 =	sld [smem:$0x3FB6]  }
0x39: {  	_ = 	snop;
	(pc) =	sbr.ind lr, $3  }
0x3a: {  	_ = 	snop  }
0x3b: {  	_ = 	snop  }
0x3c: {  	p2 =	seq.s32 s10, $0x1;
	s10 =	sld [smem:$0x3FB5]  }
0x3d: {  	_ =	shalt  }
0x3e: {  	_ =	shalt  }
0x3f: {  	_ =	shalt  }
0x40: {  	_ =	shalt  }
0x41: {  	_ =	shalt  }
0x42: {  	_ =	shalt  }
0x43: {  	_ =	shalt  }
0x44: {  	_ =	shalt  }
0x45: {  	_ =	shalt  }
0x46: {  	_ =	shalt  }
0x47: {  	_ =	shalt  }
0x48: {  	_ =	shalt  }
0x49: {  	_ =	shalt  }
0x4a: {  	_ =	shalt  }
0x4b: {  	_ =	shalt  }
0x4c: {  	_ =	shalt  }
0x4d: {  	_ =	shalt  }
0x4e: {  	_ =	shalt  }
0x4f: {  	_ =	shalt  }
0x50: {  	_ =	shalt  }
0x51: {  	_ =	shalt  }
0x52: {  	_ =	shalt  }
0x53: {  	_ =	shalt  }
0x54: {  	_ =	shalt  }
0x55: {  	_ =	shalt  }
0x56: {  	_ =	shalt  }
0x57: {  	_ =	shalt  }
0x58: {  	_ =	shalt  }
0x59: {  	_ =	shalt  }
0x5a: {  	_ =	shalt  }
0x5b: {  	_ =	shalt  }
0x5c: {  	_ =	shalt  }
0x5d: {  	_ =	shalt  }
0x5e: {  	_ =	shalt  }
0x5f: {  	_ =	shalt  }
0x60: {  	_ =	shalt  }
0x61: {  	_ =	shalt  }
0x62: {  	_ =	shalt  }
0x63: {  	_ =	shalt  }
0x64: {  	_ =	shalt  }
0x65: {  	_ =	shalt  }
0x66: {  	_ =	shalt  }
0x67: {  	_ =	shalt  }
0x68: {  	_ =	shalt  }
0x69: {  	_ =	shalt  }
0x6a: {  	_ =	shalt  }
0x6b: {  	_ =	shalt  }
0x6c: {  	_ =	shalt  }
0x6d: {  	_ =	shalt  }
0x6e: {  	_ =	shalt  }
0x6f: {  	_ =	shalt  }
0x70: {  	_ =	shalt  }
0x71: {  	_ =	shalt  }
0x72: {  	_ =	shalt  }
0x73: {  	_ =	shalt  }
0x74: {  	_ =	shalt  }
0x75: {  	_ =	shalt  }
0x76: {  	_ =	shalt  }
0x77: {  	_ =	shalt  }
0x78: {  	_ =	shalt  }
0x79: {  	_ =	shalt  }
0x7a: {  	_ =	shalt  }
0x7b: {  	_ =	shalt  }
0x7c: {  	_ =	shalt  }
0x7d: {  	_ =	shalt  }
0x7e: {  	_ =	shalt  }
0x7f: {  	_ =	shalt  }
0x80: {  	_ =	shalt  }
0x81: {  	_ =	shalt  }
0x82: {  	_ =	shalt  }
0x83: {  	_ =	shalt  }
0x84: {  	_ =	shalt  }
0x85: {  	_ =	shalt  }
0x86: {  	_ =	shalt  }
0x87: {  	_ =	shalt  }
.Lfunc_end0:
.L_simem_size_0:
called_computation_lowered:
.L_overlay_start_0:
0x88: {  	s2 =	sld [smem:$0x3FD9]  }
0x89: {  	s3 =	sld [smem:$0x3FFE];
	_ =	sdelay $0x1  }
0x8a: {  	s1 =	srdreg.scid  }
0x8b: {  	s0 =	sand.u32 $0x1, s1  }
0x8c: {  	s17 =	sshll.u32 s0, $0xA;
	s2 =	sadd.s32 s3, s2  }
0x8d: {  	s2 =	sadd.s32 s2, s17  }
0x8e: {  	[smem:$0x3FC1] =	sst s2  }
0x8f: {  	_ = 	snop  }
0x90: {  	s2 =	sld [smem:$0x3FC8];
	(tm) =	ssettm $0x1  }
0x91: {  	s18 =	sld [smem:$0x3FFB];
	_ =	sdelay $0x3  }
0x92: {  	_ =	strace s18  }
0x93: {  	s3 =	sld [smem:$0x3FFC];
	_ =	sdelay $0x3  }
0x94: {  	_ =	strace s3  }
0x95: {  	s3 =	sld [smem:$0x3FFD];
	_ =	sdelay $0x3  }
0x96: {  	_ =	strace s3  }
0x97: {  	_ =	strace $0x8FFFFFFF  }
0x98: {  	s19 =	sld [smem:$0x3FDB];
	_ =	sdelay $0x1  }
0x99: {  	s4 =	simm.s32 $_scs_section_size  }
0x9a: {  	s5 =	simm.s32 $_size__tile_overlayer_lowered;
	s6 =	simm.s32 $_tile_overlayer_lowered  }
0x9b: {  	s22 =	simm.s32 $0x1BFF;
	s21 =	sshll.u32 s6, $0x1;
	s3 =	sadd.s32 s4, s19  }
0x9c: {  	s7 =	simm.s32 $0x0;
	s20 =	sshll.u32 s5, $0x1;
	s5 =	sadd.s32 s21, s3  }
0x9d: {  	[timem:s7], [sflag:s22] =	dma.local [hbm:s5], s20  }
0x9e: {  	_ =	swait.ge [sflag:s22], s20  }
0x9f: {  	s4 =	ssub.s32 $0x0, s20;
	[sflag:s22] =	ssyncset.done $0x0  }
0xa0: {  	[sflag:s22] =	ssyncadd.s32 s4;
	_ =	sdelay $0x1  }
0xa1: {  	s23 =	simm.s32 $0x1B8B  }
0xa2: {  	_ =	swait.ge [sflag:s23], $0x1  }
0xa3: {  	[sflag:s23] =	ssyncset.done $0x0  }
0xa4: {  	s25 =	simm.s32 $0x1B8E;
	s24 =	sld [smem:$0x3FFE];
	[sflag:s23] =	ssyncadd.s32 $0xFFFFFFFF  }
0xa5: {  	s26 =	simm.s32 $execute0_lowered;
	[smem:$0x3FD2] =	sst s25  }
0xa6: {  	s5 =	sshll.u32 s26, $0x1;
	_ =	strace $0x80000046;
	[dreg:$0x1] =	wrdreg $0xFFFFFFFF  }
0xa7: {  	s28 =	simm.s32 $_size_execute0_lowered;
	s3 =	sadd.s32 s3, s5;
	[dreg:$0x0] =	wrdreg $0x0  }
0xa8: {  	s5 =	sshll.u32 s28, $0x1;
	[dreg:$0x2] =	wrdreg s3  }
0xa9: {  	[dreg:$0x3] =	wrdreg s5  }
0xaa: {  	[dreg:$0x4] =	wrdreg $0xC0  }
0xab: {  	_ =	task [dreg:s7], $0x5FFFF  }
0xac: {  	[dreg:$0x1] =	wrdreg $0xFFFFFFFF  }
0xad: {  	[dreg:$0x0] =	wrdreg $0x60  }
0xae: {  	[dreg:$0x2] =	wrdreg s24  }
0xaf: {  	[dreg:$0x3] =	wrdreg s2  }
0xb0: {  	[dreg:$0x4] =	wrdreg $0x9  }
0xb1: {  	_ =	task.clear_ibuf [dreg:s7], $0x5FFFF;
	_ =	strace $0x90000046  }
0xb2: {  	s29 =	simm.s32 $0x9;
	_ =	strace $0x80000048  }
0xb3: {  	_ =	swait.ge [sflag:s29], $0x1  }
0xb4: {  	[sflag:s29] =	ssyncadd.s32 $0xFFFFFFFF  }
0xb5: {  	_ =	strace $0x90000048  }
0xb6: {  	_ =	sfence  }
0xb7: {  	s30 =	sld [smem:$0x0];
	_ =	sdelay $0x2  }
0xb8: {  	s31 =	sshll.u32 s1, $0xD;
	s1 =	sshrl.u32 s1, $0x2  }
0xb9: {  	s3 =	sand.u32 $0x4000, s31;
	s1 =	sadd.s32 s1, s30  }
0xba: {  	s0 =	sor.u32 s3, s0;
	s1 =	sshll.u32 s1, $0x11  }
0xbb: {  	s0 =	sor.u32 s1, s0  }
0xbc: {  	s0 =	sadd.s32 $0x8F2B, s0  }
0xbd: {  	[sflag:s0] =	ssyncadd.remote.s32 $0x1  }
0xbe: {  	_ =	sfence.sel $0xFFFF  }
0xbf: {  	[dreg:$0x0] =	wrdreg $0xFFFFFFFF;
	(pc) =	sbr.abs _section_cstart, $3  }
0xc0: {  	[dreg:$0x1] =	wrdreg $0xFFFFFFFF  }
0xc1: {  	_ =	task.clear_ibuf [dreg:s7], $0x2FFFF;
	_ =	strace $0x9FFFFFFF  }
0xc2: {  	(tm) =	ssettm $0x7FFFFFFF  }
0xc3: {  	_ =	shalt  }
tec
execute0_lowered:
.L_overlay_start_1:
0x0: {  	(tag) =	ssettag $0x1  }
0x1: {  	s0 =	rddreg [dreg:$0x0]  }
0x2: {  	s2 =	rddreg [dreg:$0x1];
	s3 =	simm.s32 $0x0  }
0x3: {  	s1 =	srdreg.scid;
	s4 =	stileid.u32;
	s16 =	simm.s32 $0x100  }
0x4: {  	s17 =	simm.s32 $0x200;
	s18 =	simm.s32 $0x4;
	s19 =	simm.s32 $0x300  }
0x5: {  	s20 =	simm.s32 $0x5;
	s22 =	simm.s32 $0x6;
	s28 =	simm.s32 $0x18700  }
0x6: {  	s29 =	simm.s32 $0x3;
	s30 =	simm.s32 $0x9;
	s31 =	simm.s32 $0x18B00  }
0x7: {  	[smem:$0x7FF] =	sst s3;
	s1 =	sand.u32 $0x1, s1;
	s5 =	sshll.u32 s4, $0x1  }
0x8: {  	s4 =	sadd.s32 $0x1000, s0;
	_ =	strace $0x80000047;
	s5 =	sor.u32 s1, s5  }
0x9: {  	s1 =	ssub.s32 $0x2, s1;
	s6 =	sshll.u32 s5, $0xD;
	s7 =	sshll.u32 s5, $0xB  }
0xa: {  	s23 =	sshrl.u32 s1, $0x1;
	s5 =	sshll.u32 s5, $0xE;
	s0 =	sadd.s32 s6, s0  }
0xb: {  	s7 =	sadd.s32 s4, s7;
	s1 =	ssub.s32 s1, s23;
	s8 =	sor.u32 $0x300, s5  }
0xc: {  	s10 =	sor.u32 $0x400, s5;
	s5 =	sor.u32 $0x500, s5;
	[dreg:$0x3] =	wrdreg s7  }
0xd: {  	s24 =	sadd.s32 $0x20, s7;
	s25 =	sadd.s32 $0x40, s7;
	[dreg:$0x6] =	wrdreg s5  }
0xe: {  	s9 =	sadd.s32 $0x11000, s0;
	s11 =	sadd.s32 $0x11080, s0;
	[dreg:$0x4] =	wrdreg s24  }
0xf: {  	s13 =	sadd.s32 $0x11100, s0;
	s0 =	sadd.s32 $0x12F80, s0;
	[dreg:$0x5] =	wrdreg s25  }
0x10: {  	s23 =	simm.s32 $0x10300;
	s26 =	smax.u32 s1, $0x1;
	[dreg:$0x7] =	wrdreg s0  }
0x11: {  	s1 =	simm.s32 $0x8;
	s5 =	simm.s32 $0x0;
	[dreg:$0x8] =	wrdreg s26  }
0x12: {  	s24 =	simm.s32 $0x1;
	s25 =	simm.s32 $0x18300;
	s26 =	simm.s32 $0x2  }
.LBB2_1:
0x13: {  	[dreg:$0x9] =	wrdreg s5  }
0x14: {  	s0 =	rddreg [dreg:$0x3]  }
0x15: {  	[tilespmem:s3], [sflag:$0x4] =	stream.linear.gather [hbm4b:s0+s3], $0x100, $0x38;
	[tilespmem:$0x18F00] =	vst v63  }
0x16: {  	s14 =	rddreg [dreg:$0x4]  }
0x17: {  	[tilespmem:s16], [sflag:$0x5] =	stream.linear.gather [hbm4b:s14+s3], $0x100, $0x38;
	[tilespmem:$0x18F00] =	vst v63  }
0x18: {  	s15 =	rddreg [dreg:$0x5]  }
0x19: {  	[tilespmem:s17], [sflag:$0x6] =	stream.linear.gather [hbm4b:s15+s3], $0x100, $0x38;
	[tilespmem:$0x18F00] =	vst v63  }
0x1a: {  	_ =	swait.ge [sflag:s18], $0x100  }
0x1b: {  	[sflag:s18] =	ssyncset.done $0x0  }
0x1c: {  	[sflag:s18] =	ssyncadd.s32 $0xFFFFFF00  }
0x1d: {  	[tilespmem:s19], [sflag:$0x1] =	stream.indirect.gather [hbm4b:s2+s16], $0x80, s3, s16, $0xb8;
	[tilespmem:$0x18F00] =	vst v63  }
0x1e: {  	_ =	swait.ge [sflag:s20], $0x100  }
0x1f: {  	[sflag:s20] =	ssyncset.done $0x0  }
0x20: {  	s21 =	simm.s32 $0x8300;
	[sflag:s20] =	ssyncadd.s32 $0xFFFFFF00  }
0x21: {  	[tilespmem:s21], [sflag:$0x2] =	stream.indirect.gather [hbm4b:s2+s16], $0x80, s16, s16, $0xb8;
	[tilespmem:$0x18F00] =	vst v63  }
0x22: {  	_ =	swait.ge [sflag:s22], $0x100  }
0x23: {  	[sflag:s22] =	ssyncset.done $0x0  }
0x24: {  	s7 =	simm.s32 $0x0;
	[sflag:s22] =	ssyncadd.s32 $0xFFFFFF00  }
0x25: {  	[tilespmem:s23], [sflag:$0x3] =	stream.indirect.gather [hbm4b:s2+s16], $0x80, s17, s16, $0xb8;
	[tilespmem:$0x18F00] =	vst v63  }
.LBB2_2:
0x26: {  	s15 =	smul.u32 $0x300, s7;
	_ =	sdelay $0x1  }
0x27: {  	_ =	swait.ge [sflag:s24], $0x8000;
	s0 =	sadd.s32 s15, s8  }
0x28: {  	[sflag:s24] =	ssyncset.done $0x0;
	s0 =	sshrl.u32 s0, $0x3  }
0x29: {  	p1 =	seq.s32 s7, $0x0;
	[sflag:s24] =	ssyncadd.s32 $0xFFFF8000;
	s0 =	sadd.s32 s4, s0  }
0x2a: {  	[tilespmem:s3], [sflag:$0x4] =	stream.linear.gather [hbm4b:s0+s3], $0x100, $0x38;
	[tilespmem:$0x18F00] =	vst v63  }
0x2b: {  	s0 =	simm.s32 @!p1 $0x7  }
0x2c: {  	_ =	swait.ge @!p1 [sflag:s0], $0x400  }
0x2d: {  	[sflag:s0] =	ssyncset.done @!p1 $0x0  }
0x2e: {  	s14 =	simm.s32 $0x0;
	s5 =	simm.s32 $0x340;
	[sflag:s0] =	ssyncadd.s32 @!p1 $0xFFFFFC00  }
.LBB2_3:
0x2f: {  	v1 =	vmov s5;
	_ =	sdelay $0x3  }
0x30: {  	s21 =	simm.s32 $0x0  }
0x31: {  	v0 =	vld.idx.msk [tilespmem:v1+s21+$0x30 ss:$0x1], $0xffff  }
0x32: {  	v4 =	vld.idx.msk [tilespmem:v1+s21+$0xFFFFFFC0 ss:$0x1], $0xffff  }
0x33: {  	v13 =	vld.idx.msk [tilespmem:v1+s21+$0xFFFFFFD0 ss:$0x1], $0xffff  }
0x34: {  	v11 =	vld.idx.msk [tilespmem:v1+s21+$0xFFFFFFE0 ss:$0x1], $0xffff  }
0x35: {  	v5 =	vld.idx.msk [tilespmem:v1+s21+$0xFFFFFFF0 ss:$0x1], $0xffff  }
0x36: {  	v7 =	vimm.f32 $0.0e+00;
	v14 =	vimm.f32 $0.0e+00;
	v3 =	vld.idx.msk [tilespmem:v1+s21+$0x0 ss:$0x1], $0xffff  }
0x37: {  	v8 =	vimm.f32 $0.0e+00;
	v10 =	vimm.f32 $0.0e+00;
	v6 =	vimm.f32 $0.0e+00;
	v2 =	vld.idx.msk [tilespmem:v1+s21+$0x10 ss:$0x1], $0xffff  }
0x38: {  	s0 =	simm.s32 $0x80;
	s6 =	simm.s32 $0x400;
	v9 =	vld.idx.msk [tilespmem:v1+s21+$0x20 ss:$0x1], $0xffff;
	v0 =	vadd.f32 v0, v7;
	v12 =	vadd.f32 v4, v7;
	v4 =	vimm.f32 $0.0e+00  }
.LBB2_4:
0x39: {  	p0 =	sne.s32 s6, $0x3800;
	v15 =	vld.idx.msk [tilespmem:v1+s0+$0x30 ss:$0x1], $0xffff;
	v7 =	vadd.f32 v13, v7  }
0x3a: {  	v14 =	vadd.f32 v11, v14;
	v16 =	vld.idx.msk [tilespmem:v1+s0+$0xFFFFFFC0 ss:$0x1], $0xffff  }
0x3b: {  	v8 =	vadd.f32 v5, v8;
	v13 =	vld.idx.msk [tilespmem:v1+s0+$0xFFFFFFD0 ss:$0x1], $0xffff  }
.Ltmp0:
0x3c: {  	v10 =	vadd.f32 v3, v10;
	v11 =	vld.idx.msk [tilespmem:v1+s0+$0xFFFFFFE0 ss:$0x1], $0xffff;
	(pc) =	sbr.rel @p0 .LBB2_4-.Ltmp0, $4  }
0x3d: {  	v6 =	vadd.f32 v2, v6;
	v5 =	vld.idx.msk [tilespmem:v1+s0+$0xFFFFFFF0 ss:$0x1], $0xffff  }
0x3e: {  	v4 =	vadd.f32 v9, v4;
	v3 =	vld.idx.msk [tilespmem:v1+s0+$0x0 ss:$0x1], $0xffff  }
0x3f: {  	v0 =	vadd.f32 v15, v0;
	v2 =	vld.idx.msk [tilespmem:v1+s0+$0x10 ss:$0x1], $0xffff  }
0x40: {  	v12 =	vadd.f32 v16, v12;
	v9 =	vld.idx.msk [tilespmem:v1+s0+$0x20 ss:$0x1], $0xffff;
	s0 =	sshra.s32 s6, $0x2;
	s6 =	sadd.s32 $0x200, s6  }
0x41: {  	_ =	sdelay $0x3  }
0x42: {  	v16 =	vld.idx.msk [tilespmem:v1+s0+$0xFFFFFFC0 ss:$0x1], $0xffff  }
0x43: {  	v17 =	vld.idx.msk [tilespmem:v1+s0+$0xFFFFFFD0 ss:$0x1], $0xffff  }
0x44: {  	v18 =	vld.idx.msk [tilespmem:v1+s0+$0xFFFFFFE0 ss:$0x1], $0xffff  }
0x45: {  	v19 =	vld.idx.msk [tilespmem:v1+s0+$0xFFFFFFF0 ss:$0x1], $0xffff  }
0x46: {  	v7 =	vadd.f32 v13, v7;
	v60 =	vld.idx.msk [tilespmem:v1+s0+$0x0 ss:$0x1], $0xffff  }
0x47: {  	v11 =	vadd.f32 v11, v14;
	v61 =	vld.idx.msk [tilespmem:v1+s0+$0x10 ss:$0x1], $0xffff;
	s6 =	sshll.u32 s14, $0x7;
	v12 =	vadd.f32 v16, v12  }
0x48: {  	v15 =	vld.idx.msk [tilespmem:v1+s0+$0x30 ss:$0x1], $0xffff;
	v5 =	vadd.f32 v5, v8;
	s21 =	sand.u32 $0x3FFFFF80, s6;
	v7 =	vadd.f32 v17, v7  }
0x49: {  	v62 =	vld.idx.msk [tilespmem:v1+s0+$0x20 ss:$0x1], $0xffff;
	v3 =	vadd.f32 v3, v10;
	v63 =	vadd.f32 v18, v11;
	[tilespmem:s21+$0x18300] =	vst v12  }
0x4a: {  	s14 =	sadd.s32 $0x1, s14;
	v2 =	vadd.f32 v2, v6;
	v5 =	vadd.f32 v19, v5;
	[tilespmem:s21+$0x18310] =	vst v7  }
0x4b: {  	p0 =	sne.s32 s14, $0x8;
	v3 =	vadd.f32 v60, v3;
	[tilespmem:s21+$0x18320] =	vst v63  }
.Ltmp1:
0x4c: {  	v4 =	vadd.f32 v9, v4;
	v2 =	vadd.f32 v61, v2;
	[tilespmem:s21+$0x18330] =	vst v5;
	(pc) =	sbr.rel @p0 .LBB2_3-.Ltmp1, $4  }
0x4d: {  	v0 =	vadd.f32 v15, v0;
	[tilespmem:s21+$0x18340] =	vst v3  }
0x4e: {  	v1 =	vadd.f32 v62, v4;
	[tilespmem:s21+$0x18350] =	vst v2  }
0x4f: {  	[tilespmem:s21+$0x18370] =	vst v0  }
0x50: {  	s5 =	sadd.s32 $0x1000, s5;
	[tilespmem:s21+$0x18360] =	vst v1  }
0x51: {  	s14 =	smul.u32 $0x180, s7;
	_ =	sdelay $0x1  }
0x52: {  	s0 =	sadd.s32 s14, s9  }
0x53: {  	[hbm4b:s0+s3] =	stream.linear.scatter [tilespmem:s25], [sflag:$0x7], $0x400, $0x38;
	[tilespmem:$0x18F00] =	vst v63  }
0x54: {  	_ =	swait.ge [sflag:s18], $0x100  }
0x55: {  	p0 =	seq.s32 s7, $0x14;
	[sflag:s18] =	ssyncset.done $0x0  }
0x56: {  	p2 =	seq.s32 @!p0 s7, $0x0;
	[sflag:s18] =	ssyncadd.s32 $0xFFFFFF00  }
0x57: {  	[tilespmem:s19], [sflag:$0x1] =	stream.indirect.gather [hbm4b:s2+s16], $0x80, s3, s16, $0xb8;
	[tilespmem:$0x18F00] =	vst v63  }
0x58: {  	s5 =	simm.s32 @!p0 $0x0;
	s0 =	sadd.s32 @!p0 s15, s10;
	_ =	swait.ge [sflag:s26], $0x8000  }
0x59: {  	s6 =	simm.s32 @!p0 $0x100;
	s0 =	sshrl.u32 @!p0 s0, $0x3;
	[sflag:s26] =	ssyncset.done $0x0  }
0x5a: {  	p2 =	por p0, !p2;
	s0 =	sadd.s32 @!p0 s4, s0;
	[sflag:s26] =	ssyncadd.s32 $0xFFFF8000  }
0x5b: {  	[tilespmem:s6], [sflag:$0x5] =	stream.linear.gather @!p0 [hbm4b:s0+s5], $0x100, $0x38;
	[tilespmem:$0x18F00] =	vst v63  }
0x5c: {  	_ =	swait.ge @p2 [sflag:s1], $0x400  }
0x5d: {  	[sflag:s1] =	ssyncset.done @p2 $0x0  }
0x5e: {  	s5 =	simm.s32 $0x0;
	s0 =	simm.s32 $0x300;
	[sflag:s1] =	ssyncadd.s32 @p2 $0xFFFFFC00  }
.LBB2_7:
0x5f: {  	v1 =	vmov s0;
	_ =	sdelay $0x3  }
0x60: {  	s12 =	simm.s32 $0x0  }
0x61: {  	v0 =	vld.idx.msk [tilespmem:v1+s12+$0x8070 ss:$0x1], $0xffff  }
0x62: {  	v4 =	vld.idx.msk [tilespmem:v1+s12+$0x8000 ss:$0x1], $0xffff  }
0x63: {  	v13 =	vld.idx.msk [tilespmem:v1+s12+$0x8010 ss:$0x1], $0xffff  }
0x64: {  	v11 =	vld.idx.msk [tilespmem:v1+s12+$0x8020 ss:$0x1], $0xffff  }
0x65: {  	v5 =	vld.idx.msk [tilespmem:v1+s12+$0x8030 ss:$0x1], $0xffff  }
0x66: {  	v7 =	vimm.f32 $0.0e+00;
	v14 =	vimm.f32 $0.0e+00;
	v3 =	vld.idx.msk [tilespmem:v1+s12+$0x8040 ss:$0x1], $0xffff  }
0x67: {  	v8 =	vimm.f32 $0.0e+00;
	v10 =	vimm.f32 $0.0e+00;
	v6 =	vimm.f32 $0.0e+00;
	v2 =	vld.idx.msk [tilespmem:v1+s12+$0x8050 ss:$0x1], $0xffff  }
0x68: {  	s6 =	simm.s32 $0x80;
	s21 =	simm.s32 $0x400;
	v9 =	vld.idx.msk [tilespmem:v1+s12+$0x8060 ss:$0x1], $0xffff;
	v0 =	vadd.f32 v0, v7;
	v12 =	vadd.f32 v4, v7;
	v4 =	vimm.f32 $0.0e+00  }
.LBB2_8:
0x69: {  	p2 =	sne.s32 s21, $0x3800;
	v15 =	vld.idx.msk [tilespmem:v1+s6+$0x8070 ss:$0x1], $0xffff;
	v7 =	vadd.f32 v13, v7  }
0x6a: {  	v14 =	vadd.f32 v11, v14;
	v16 =	vld.idx.msk [tilespmem:v1+s6+$0x8000 ss:$0x1], $0xffff  }
0x6b: {  	v8 =	vadd.f32 v5, v8;
	v13 =	vld.idx.msk [tilespmem:v1+s6+$0x8010 ss:$0x1], $0xffff  }
.Ltmp2:
0x6c: {  	v10 =	vadd.f32 v3, v10;
	v11 =	vld.idx.msk [tilespmem:v1+s6+$0x8020 ss:$0x1], $0xffff;
	(pc) =	sbr.rel @p2 .LBB2_8-.Ltmp2, $4  }
0x6d: {  	v6 =	vadd.f32 v2, v6;
	v5 =	vld.idx.msk [tilespmem:v1+s6+$0x8030 ss:$0x1], $0xffff  }
0x6e: {  	v4 =	vadd.f32 v9, v4;
	v3 =	vld.idx.msk [tilespmem:v1+s6+$0x8040 ss:$0x1], $0xffff  }
0x6f: {  	v0 =	vadd.f32 v15, v0;
	v2 =	vld.idx.msk [tilespmem:v1+s6+$0x8050 ss:$0x1], $0xffff  }
0x70: {  	v12 =	vadd.f32 v16, v12;
	v9 =	vld.idx.msk [tilespmem:v1+s6+$0x8060 ss:$0x1], $0xffff;
	s6 =	sshra.s32 s21, $0x2;
	s21 =	sadd.s32 $0x200, s21  }
0x71: {  	_ =	sdelay $0x3  }
0x72: {  	v16 =	vld.idx.msk [tilespmem:v1+s6+$0x8000 ss:$0x1], $0xffff  }
0x73: {  	v17 =	vld.idx.msk [tilespmem:v1+s6+$0x8010 ss:$0x1], $0xffff  }
0x74: {  	v18 =	vld.idx.msk [tilespmem:v1+s6+$0x8020 ss:$0x1], $0xffff  }
0x75: {  	v19 =	vld.idx.msk [tilespmem:v1+s6+$0x8030 ss:$0x1], $0xffff  }
0x76: {  	v7 =	vadd.f32 v13, v7;
	v60 =	vld.idx.msk [tilespmem:v1+s6+$0x8040 ss:$0x1], $0xffff  }
0x77: {  	v11 =	vadd.f32 v11, v14;
	v61 =	vld.idx.msk [tilespmem:v1+s6+$0x8050 ss:$0x1], $0xffff;
	s12 =	sshll.u32 s5, $0x7;
	v12 =	vadd.f32 v16, v12  }
0x78: {  	v15 =	vld.idx.msk [tilespmem:v1+s6+$0x8070 ss:$0x1], $0xffff;
	v5 =	vadd.f32 v5, v8;
	s21 =	sand.u32 $0x3FFFFF80, s12;
	v7 =	vadd.f32 v17, v7  }
0x79: {  	v62 =	vld.idx.msk [tilespmem:v1+s6+$0x8060 ss:$0x1], $0xffff;
	v3 =	vadd.f32 v3, v10;
	v63 =	vadd.f32 v18, v11;
	[tilespmem:s21+$0x18700] =	vst v12  }
0x7a: {  	s5 =	sadd.s32 $0x1, s5;
	v2 =	vadd.f32 v2, v6;
	v5 =	vadd.f32 v19, v5;
	[tilespmem:s21+$0x18710] =	vst v7  }
0x7b: {  	p2 =	sne.s32 s5, $0x8;
	v3 =	vadd.f32 v60, v3;
	[tilespmem:s21+$0x18720] =	vst v63  }
.Ltmp3:
0x7c: {  	v4 =	vadd.f32 v9, v4;
	v2 =	vadd.f32 v61, v2;
	[tilespmem:s21+$0x18730] =	vst v5;
	(pc) =	sbr.rel @p2 .LBB2_7-.Ltmp3, $4  }
0x7d: {  	v0 =	vadd.f32 v15, v0;
	[tilespmem:s21+$0x18740] =	vst v3  }
0x7e: {  	v1 =	vadd.f32 v62, v4;
	[tilespmem:s21+$0x18750] =	vst v2  }
0x7f: {  	[tilespmem:s21+$0x18770] =	vst v0  }
0x80: {  	s0 =	sadd.s32 $0x1000, s0;
	[tilespmem:s21+$0x18760] =	vst v1  }
0x81: {  	p2 =	sne.s32 s7, $0x14  }
.Ltmp4:
0x82: {  	_ = 	snop;
	(pc) =	sbr.rel @p2 .LBB2_12-.Ltmp4, $3  }
0x83: {  	_ =	sdelay $0x1  }
0x84: {  	s0 =	sadd.s32 s14, s11  }
0x85: {  	[hbm4b:s0+s3] =	stream.linear.scatter [tilespmem:s28], [sflag:$0x8], $0x400, $0x38;
	[tilespmem:$0x18F00] =	vst v63  }
.Ltmp5:
0x86: {  	(pc) =	sbr.rel .LBB2_13-.Ltmp5, $4  }
0x87: {  	_ = 	snop  }
0x88: {  	_ =	swait.ge [sflag:s29], $0x8000  }
0x89: {  	[sflag:s29] =	ssyncset.done $0x0  }
0x8a: {  	[sflag:s29] =	ssyncadd.s32 $0xFFFF8000  }
.LBB2_12:
0x8b: {  	_ =	swait.ge [sflag:s20], $0x100  }
0x8c: {  	[sflag:s20] =	ssyncset.done $0x0  }
0x8d: {  	s0 =	simm.s32 $0x8300;
	[sflag:s20] =	ssyncadd.s32 $0xFFFFFF00  }
0x8e: {  	[tilespmem:s0], [sflag:$0x2] =	stream.indirect.gather [hbm4b:s2+s16], $0x80, s16, s16, $0xb8;
	[tilespmem:$0x18F00] =	vst v63  }
0x8f: {  	_ =	swait.ge [sflag:s29], $0x8000  }
.Ltmp6:
0x90: {  	s21 =	rddreg [dreg:$0x6];
	(pc) =	sbr.rel @p1 .LBB2_14-.Ltmp6, $4  }
0x91: {  	s0 =	sadd.s32 s15, s21  }
0x92: {  	[sflag:s29] =	ssyncset.done $0x0;
	s0 =	sshrl.u32 s0, $0x3  }
0x93: {  	[sflag:s29] =	ssyncadd.s32 $0xFFFF8000;
	s0 =	sadd.s32 s4, s0  }
0x94: {  	[tilespmem:s17], [sflag:$0x6] =	stream.linear.gather [hbm4b:s0+s3], $0x100, $0x38;
	[tilespmem:$0x18F00] =	vst v63  }
.LBB2_13:
0x95: {  	_ =	swait.ge [sflag:s30], $0x400  }
0x96: {  	[sflag:s30] =	ssyncset.done $0x0  }
0x97: {  	[sflag:s30] =	ssyncadd.s32 $0xFFFFFC00  }
.LBB2_14:
0x98: {  	s5 =	simm.s32 $0x0;
	s0 =	simm.s32 $0x300  }
.LBB2_15:
0x99: {  	v1 =	vmov s0;
	_ =	sdelay $0x3  }
0x9a: {  	s12 =	simm.s32 $0x0  }
0x9b: {  	v0 =	vld.idx.msk [tilespmem:v1+s12+$0x10070 ss:$0x1], $0xffff  }
0x9c: {  	v4 =	vld.idx.msk [tilespmem:v1+s12+$0x10000 ss:$0x1], $0xffff  }
0x9d: {  	v13 =	vld.idx.msk [tilespmem:v1+s12+$0x10010 ss:$0x1], $0xffff  }
0x9e: {  	v11 =	vld.idx.msk [tilespmem:v1+s12+$0x10020 ss:$0x1], $0xffff  }
0x9f: {  	v5 =	vld.idx.msk [tilespmem:v1+s12+$0x10030 ss:$0x1], $0xffff  }
0xa0: {  	v7 =	vimm.f32 $0.0e+00;
	v14 =	vimm.f32 $0.0e+00;
	v3 =	vld.idx.msk [tilespmem:v1+s12+$0x10040 ss:$0x1], $0xffff  }
0xa1: {  	v8 =	vimm.f32 $0.0e+00;
	v10 =	vimm.f32 $0.0e+00;
	v6 =	vimm.f32 $0.0e+00;
	v2 =	vld.idx.msk [tilespmem:v1+s12+$0x10050 ss:$0x1], $0xffff  }
0xa2: {  	s6 =	simm.s32 $0x80;
	s15 =	simm.s32 $0x400;
	v9 =	vld.idx.msk [tilespmem:v1+s12+$0x10060 ss:$0x1], $0xffff;
	v0 =	vadd.f32 v0, v7;
	v12 =	vadd.f32 v4, v7;
	v4 =	vimm.f32 $0.0e+00  }
.LBB2_16:
0xa3: {  	p1 =	sne.s32 s15, $0x3800;
	v15 =	vld.idx.msk [tilespmem:v1+s6+$0x10070 ss:$0x1], $0xffff;
	v7 =	vadd.f32 v13, v7  }
0xa4: {  	v14 =	vadd.f32 v11, v14;
	v16 =	vld.idx.msk [tilespmem:v1+s6+$0x10000 ss:$0x1], $0xffff  }
0xa5: {  	v8 =	vadd.f32 v5, v8;
	v13 =	vld.idx.msk [tilespmem:v1+s6+$0x10010 ss:$0x1], $0xffff  }
.Ltmp7:
0xa6: {  	v10 =	vadd.f32 v3, v10;
	v11 =	vld.idx.msk [tilespmem:v1+s6+$0x10020 ss:$0x1], $0xffff;
	(pc) =	sbr.rel @p1 .LBB2_16-.Ltmp7, $4  }
0xa7: {  	v6 =	vadd.f32 v2, v6;
	v5 =	vld.idx.msk [tilespmem:v1+s6+$0x10030 ss:$0x1], $0xffff  }
0xa8: {  	v4 =	vadd.f32 v9, v4;
	v3 =	vld.idx.msk [tilespmem:v1+s6+$0x10040 ss:$0x1], $0xffff  }
0xa9: {  	v0 =	vadd.f32 v15, v0;
	v2 =	vld.idx.msk [tilespmem:v1+s6+$0x10050 ss:$0x1], $0xffff  }
0xaa: {  	v12 =	vadd.f32 v16, v12;
	v9 =	vld.idx.msk [tilespmem:v1+s6+$0x10060 ss:$0x1], $0xffff;
	s6 =	sshra.s32 s15, $0x2;
	s15 =	sadd.s32 $0x200, s15  }
0xab: {  	_ =	sdelay $0x3  }
0xac: {  	v16 =	vld.idx.msk [tilespmem:v1+s6+$0x10000 ss:$0x1], $0xffff  }
0xad: {  	v17 =	vld.idx.msk [tilespmem:v1+s6+$0x10010 ss:$0x1], $0xffff  }
0xae: {  	v18 =	vld.idx.msk [tilespmem:v1+s6+$0x10020 ss:$0x1], $0xffff  }
0xaf: {  	v19 =	vld.idx.msk [tilespmem:v1+s6+$0x10030 ss:$0x1], $0xffff  }
0xb0: {  	v7 =	vadd.f32 v13, v7;
	v60 =	vld.idx.msk [tilespmem:v1+s6+$0x10040 ss:$0x1], $0xffff  }
0xb1: {  	v11 =	vadd.f32 v11, v14;
	v61 =	vld.idx.msk [tilespmem:v1+s6+$0x10050 ss:$0x1], $0xffff;
	s12 =	sshll.u32 s5, $0x7;
	v12 =	vadd.f32 v16, v12  }
0xb2: {  	v15 =	vld.idx.msk [tilespmem:v1+s6+$0x10070 ss:$0x1], $0xffff;
	v5 =	vadd.f32 v5, v8;
	s21 =	sand.u32 $0x3FFFFF80, s12;
	v7 =	vadd.f32 v17, v7  }
0xb3: {  	v62 =	vld.idx.msk [tilespmem:v1+s6+$0x10060 ss:$0x1], $0xffff;
	v3 =	vadd.f32 v3, v10;
	v63 =	vadd.f32 v18, v11;
	[tilespmem:s21+$0x18B00] =	vst v12  }
0xb4: {  	s5 =	sadd.s32 $0x1, s5;
	v2 =	vadd.f32 v2, v6;
	v5 =	vadd.f32 v19, v5;
	[tilespmem:s21+$0x18B10] =	vst v7  }
0xb5: {  	p1 =	sne.s32 s5, $0x8;
	v3 =	vadd.f32 v60, v3;
	[tilespmem:s21+$0x18B20] =	vst v63  }
.Ltmp8:
0xb6: {  	v4 =	vadd.f32 v9, v4;
	v2 =	vadd.f32 v61, v2;
	[tilespmem:s21+$0x18B30] =	vst v5;
	(pc) =	sbr.rel @p1 .LBB2_15-.Ltmp8, $4  }
0xb7: {  	v0 =	vadd.f32 v15, v0;
	[tilespmem:s21+$0x18B40] =	vst v3  }
0xb8: {  	v1 =	vadd.f32 v62, v4;
	[tilespmem:s21+$0x18B50] =	vst v2  }
0xb9: {  	[tilespmem:s21+$0x18B70] =	vst v0  }
0xba: {  	s0 =	sadd.s32 $0x1000, s0;
	[tilespmem:s21+$0x18B60] =	vst v1  }
.Ltmp9:
0xbb: {  	(pc) =	sbr.rel @p0 .LBB2_20-.Ltmp9, $3  }
0xbc: {  	_ =	sdelay $0x1  }
0xbd: {  	s0 =	sadd.s32 s14, s13  }
0xbe: {  	[hbm4b:s0+s3] =	stream.linear.scatter [tilespmem:s31], [sflag:$0x9], $0x400, $0x38;
	[tilespmem:$0x18F00] =	vst v63  }
.Ltmp10:
0xbf: {  	(pc) =	sbr.rel .LBB2_2-.Ltmp10, $4  }
0xc0: {  	_ =	swait.ge [sflag:s22], $0x100  }
0xc1: {  	[sflag:s22] =	ssyncset.done $0x0  }
0xc2: {  	s7 =	sadd.s32 $0x1, s7;
	[sflag:s22] =	ssyncadd.s32 $0xFFFFFF00  }
0xc3: {  	[tilespmem:s23], [sflag:$0x3] =	stream.indirect.gather [hbm4b:s2+s16], $0x80, s17, s16, $0xb8;
	[tilespmem:$0x18F00] =	vst v63  }
.LBB2_20:
0xc4: {  	_ =	swait.ge [sflag:s24], $0x8000  }
0xc5: {  	[sflag:s24] =	ssyncset.done $0x0  }
0xc6: {  	s14 =	simm.s32 $0x7;
	[sflag:s24] =	ssyncadd.s32 $0xFFFF8000  }
0xc7: {  	_ =	swait.ge [sflag:s14], $0x400  }
0xc8: {  	[sflag:s14] =	ssyncset.done $0x0  }
0xc9: {  	s5 =	simm.s32 $0x0;
	s0 =	simm.s32 $0x340;
	[sflag:s14] =	ssyncadd.s32 $0xFFFFFC00  }
.LBB2_21:
0xca: {  	v1 =	vmov s0;
	_ =	sdelay $0x3  }
0xcb: {  	s12 =	simm.s32 $0x0  }
0xcc: {  	v0 =	vld.idx.msk [tilespmem:v1+s12+$0x30 ss:$0x1], $0xffff  }
0xcd: {  	v4 =	vld.idx.msk [tilespmem:v1+s12+$0xFFFFFFC0 ss:$0x1], $0xffff  }
0xce: {  	v13 =	vld.idx.msk [tilespmem:v1+s12+$0xFFFFFFD0 ss:$0x1], $0xffff  }
0xcf: {  	v11 =	vld.idx.msk [tilespmem:v1+s12+$0xFFFFFFE0 ss:$0x1], $0xffff  }
0xd0: {  	v5 =	vld.idx.msk [tilespmem:v1+s12+$0xFFFFFFF0 ss:$0x1], $0xffff  }
0xd1: {  	v7 =	vimm.f32 $0.0e+00;
	v14 =	vimm.f32 $0.0e+00;
	v3 =	vld.idx.msk [tilespmem:v1+s12+$0x0 ss:$0x1], $0xffff  }
0xd2: {  	v8 =	vimm.f32 $0.0e+00;
	v10 =	vimm.f32 $0.0e+00;
	v6 =	vimm.f32 $0.0e+00;
	v2 =	vld.idx.msk [tilespmem:v1+s12+$0x10 ss:$0x1], $0xffff  }
0xd3: {  	s6 =	simm.s32 $0x80;
	s7 =	simm.s32 $0x400;
	v9 =	vld.idx.msk [tilespmem:v1+s12+$0x20 ss:$0x1], $0xffff;
	v0 =	vadd.f32 v0, v7;
	v12 =	vadd.f32 v4, v7;
	v4 =	vimm.f32 $0.0e+00  }
.LBB2_22:
0xd4: {  	p0 =	sne.s32 s7, $0x3800;
	v15 =	vld.idx.msk [tilespmem:v1+s6+$0x30 ss:$0x1], $0xffff;
	v7 =	vadd.f32 v13, v7  }
0xd5: {  	v14 =	vadd.f32 v11, v14;
	v16 =	vld.idx.msk [tilespmem:v1+s6+$0xFFFFFFC0 ss:$0x1], $0xffff  }
0xd6: {  	v8 =	vadd.f32 v5, v8;
	v13 =	vld.idx.msk [tilespmem:v1+s6+$0xFFFFFFD0 ss:$0x1], $0xffff  }
.Ltmp11:
0xd7: {  	v10 =	vadd.f32 v3, v10;
	v11 =	vld.idx.msk [tilespmem:v1+s6+$0xFFFFFFE0 ss:$0x1], $0xffff;
	(pc) =	sbr.rel @p0 .LBB2_22-.Ltmp11, $4  }
0xd8: {  	v6 =	vadd.f32 v2, v6;
	v5 =	vld.idx.msk [tilespmem:v1+s6+$0xFFFFFFF0 ss:$0x1], $0xffff  }
0xd9: {  	v4 =	vadd.f32 v9, v4;
	v3 =	vld.idx.msk [tilespmem:v1+s6+$0x0 ss:$0x1], $0xffff  }
0xda: {  	v0 =	vadd.f32 v15, v0;
	v2 =	vld.idx.msk [tilespmem:v1+s6+$0x10 ss:$0x1], $0xffff  }
0xdb: {  	v12 =	vadd.f32 v16, v12;
	v9 =	vld.idx.msk [tilespmem:v1+s6+$0x20 ss:$0x1], $0xffff;
	s6 =	sshra.s32 s7, $0x2;
	s7 =	sadd.s32 $0x200, s7  }
0xdc: {  	_ =	sdelay $0x3  }
0xdd: {  	v16 =	vld.idx.msk [tilespmem:v1+s6+$0xFFFFFFC0 ss:$0x1], $0xffff  }
0xde: {  	v17 =	vld.idx.msk [tilespmem:v1+s6+$0xFFFFFFD0 ss:$0x1], $0xffff  }
0xdf: {  	v18 =	vld.idx.msk [tilespmem:v1+s6+$0xFFFFFFE0 ss:$0x1], $0xffff  }
0xe0: {  	v19 =	vld.idx.msk [tilespmem:v1+s6+$0xFFFFFFF0 ss:$0x1], $0xffff  }
0xe1: {  	v7 =	vadd.f32 v13, v7;
	v60 =	vld.idx.msk [tilespmem:v1+s6+$0x0 ss:$0x1], $0xffff  }
0xe2: {  	v11 =	vadd.f32 v11, v14;
	v61 =	vld.idx.msk [tilespmem:v1+s6+$0x10 ss:$0x1], $0xffff;
	s7 =	sshll.u32 s5, $0x7;
	v12 =	vadd.f32 v16, v12  }
0xe3: {  	v15 =	vld.idx.msk [tilespmem:v1+s6+$0x30 ss:$0x1], $0xffff;
	v5 =	vadd.f32 v5, v8;
	s21 =	sand.u32 $0x3FFFFF80, s7;
	v7 =	vadd.f32 v17, v7  }
0xe4: {  	v62 =	vld.idx.msk [tilespmem:v1+s6+$0x20 ss:$0x1], $0xffff;
	v3 =	vadd.f32 v3, v10;
	v63 =	vadd.f32 v18, v11;
	[tilespmem:s21+$0x18300] =	vst v12  }
0xe5: {  	s5 =	sadd.s32 $0x1, s5;
	v2 =	vadd.f32 v2, v6;
	v5 =	vadd.f32 v19, v5;
	[tilespmem:s21+$0x18310] =	vst v7  }
0xe6: {  	p0 =	sne.s32 s5, $0x8;
	v3 =	vadd.f32 v60, v3;
	[tilespmem:s21+$0x18320] =	vst v63  }
.Ltmp12:
0xe7: {  	v4 =	vadd.f32 v9, v4;
	v2 =	vadd.f32 v61, v2;
	[tilespmem:s21+$0x18330] =	vst v5;
	(pc) =	sbr.rel @p0 .LBB2_21-.Ltmp12, $4  }
0xe8: {  	v0 =	vadd.f32 v15, v0;
	[tilespmem:s21+$0x18340] =	vst v3  }
0xe9: {  	v1 =	vadd.f32 v62, v4;
	[tilespmem:s21+$0x18350] =	vst v2  }
0xea: {  	[tilespmem:s21+$0x18370] =	vst v0  }
0xeb: {  	s0 =	sadd.s32 $0x1000, s0;
	[tilespmem:s21+$0x18360] =	vst v1  }
0xec: {  	s0 =	rddreg [dreg:$0x7]  }
0xed: {  	[hbm4b:s0+s3] =	stream.linear.scatter [tilespmem:s25], [sflag:$0x7], $0x400, $0x38;
	[tilespmem:$0x18F00] =	vst v63  }
0xee: {  	_ =	swait.ge [sflag:s1], $0x400  }
0xef: {  	[sflag:s1] =	ssyncset.done $0x0  }
0xf0: {  	[sflag:s1] =	ssyncadd.s32 $0xFFFFFC00  }
0xf1: {  	_ =	swait.ge [sflag:s30], $0x400  }
0xf2: {  	[sflag:s30] =	ssyncset.done $0x0  }
0xf3: {  	[sflag:s30] =	ssyncadd.s32 $0xFFFFFC00  }
0xf4: {  	_ =	swait.ge [sflag:s14], $0x400  }
0xf5: {  	s5 =	rddreg [dreg:$0x9]  }
0xf6: {  	s21 =	rddreg [dreg:$0x8];
	s5 =	sadd.s32 $0x1, s5  }
0xf7: {  	p0 =	sne.s32 s5, s21  }
.Ltmp13:
0xf8: {  	_ = 	snop;
	(pc) =	sbr.rel @p0 .LBB2_1-.Ltmp13, $3  }
0xf9: {  	_ =	sdelay $0x1  }
0xfa: {  	[sflag:s14] =	ssyncset.done $0x0  }
0xfb: {  	[sflag:s14] =	ssyncadd.s32 $0xFFFFFC00  }
0xfc: {  	_ =	sfence.sel $0x180000  }
0xfd: {  	[bflag:$0x0] =	sbarrier.arrive $0xFFFF  }
0xfe: {  	_ =	strace $0x90000047  }
0xff: {  	s0 =	stileid.u32;
	[bflag:$0x2] =	sbarrier.arrive $0xFFFF  }
0x100: {  	p0 =	sne.s32 s0, $0x0;
	s0 =	rddreg [dreg:$0x2]  }
0x101: {  	s0 =	sadd.s32 @!p0 $0x100000, s0  }
0x102: {  	[sflag:s0] =	ssyncadd.tile.s32 @!p0 $0x1;
	_ =	shalt  }
.Lfunc_end2:
_tile_overlayer_lowered:
.L_overlay_start_2:
0x103: {  	(tag) =	ssettag $0x2  }
0x104: {  	s0 =	rddreg [dreg:$0x0];
	s2 =	stileid.u32  }
0x105: {  	s1 =	rddreg [dreg:$0x1];
	p0 =	sne.s32 s2, $0x0  }
0x106: {  	s3 =	rddreg [dreg:$0x2];
	[bflag:$0x3] =	sbarrier.arrive $0xFFFF;
	s2 =	simm.s32 @!p0 $0x1C0A  }
0x107: {  	[timem:s3], [sflag:s2] =	dma.local @!p0 [hbm:s0], s1  }
0x108: {  	s0 =	simm.s32 @!p0 $0xA  }
0x109: {  	_ =	swait.ge @!p0 [sflag:s0], s1  }
0x10a: {  	s1 =	ssub.s32 @!p0 $0x0, s1;
	[sflag:s0] =	ssyncset.done @!p0 $0x0  }
0x10b: {  	[sflag:s0] =	ssyncadd.s32 @!p0 s1  }
0x10c: {  	[bflag:$0x3] =	sbarrier.arrive $0xFFFF  }
0x10d: {  	_ =	shalt  }

</sc_bundles>
